<compile_context>
chip_gen: v7x
topology: tpu7x:2x2x1
jax: 0.10.2.dev20260603
libtpu: 0.0.44.dev20260713+nightly
codegen_flags: <defaults>
</compile_context>

<pallas_src>
import functools

import jax
import jax.numpy as jnp
from jax.experimental import pallas as pl
from jax.experimental.pallas import tpu as pltpu

E = 64
TOPK = 2
H = 768
I = 768
S = 2048
N = S * TOPK
LIMIT = 7.0
ALPHA = 1.702

BT = 128
G = N // BT + E


def _moe_body(tile_e_ref, tot_ref, tokens_ref,
              w_ref, x_ref, bgu_ref, bdn_ref, wgu_hbm, wdn_hbm,
              out_ref,
              wgu_buf, wdn_buf, xs_ref, ys_ref, dsem):
    T = tot_ref[0]
    out_ref[...] = jnp.zeros_like(out_ref)

    CGU, CDN = 4, 2
    RGU, RDN = H // CGU, I // CDN

    def _copies(i, slot):
        e = tile_e_ref[i]
        cps = []
        for c in range(CGU):
            cps.append(pltpu.make_async_copy(
                wgu_hbm.at[e, pl.ds(c * RGU, RGU)],
                wgu_buf.at[slot, pl.ds(c * RGU, RGU)],
                dsem.at[slot, c]))
        for c in range(CDN):
            cps.append(pltpu.make_async_copy(
                wdn_hbm.at[e, pl.ds(c * RDN, RDN)],
                wdn_buf.at[slot, pl.ds(c * RDN, RDN)],
                dsem.at[slot, CGU + c]))
        return cps

    def start_copy(i, slot):
        for cp in _copies(i, slot):
            cp.start()

    def wait_copy(i, slot):
        for cp in _copies(i, slot):
            cp.wait()

    start_copy(0, 0)
    wait_copy(0, 0)

    def tile_body(i, carry):
        xs_ref[...] = x_ref[0:BT, :]
        ys_ref[...] = xs_ref[...] * w_ref[0, 0, :][:, None]
        out_ref[0:BT, :] += ys_ref[...]
        return carry

    tile_body(0, 0)


@functools.partial(jax.jit, static_argnames=())
def kernel(hidden_states, router_indices, routing_weights,
           W_gate_up, b_gate_up, W_down, b_down):
    x = hidden_states[0]
    experts = router_indices.reshape(N).astype(jnp.int32)
    w_flat = routing_weights.reshape(N)

    order = jnp.argsort(experts, stable=True)
    tok_sorted = (order // TOPK).astype(jnp.int32)
    w_sorted = w_flat[order]
    counts = jnp.bincount(experts, length=E).astype(jnp.int32)
    offsets = jnp.concatenate([jnp.zeros((1,), jnp.int32),
                               jnp.cumsum(counts)[:-1].astype(jnp.int32)])
    nt = (counts + BT - 1) // BT
    cum_nt = jnp.cumsum(nt).astype(jnp.int32)
    first_tile = cum_nt - nt
    total_tiles = cum_nt[-1:]
    gids = jnp.arange(G, dtype=jnp.int32)
    tile_e = jnp.searchsorted(cum_nt, gids, side='right').astype(jnp.int32)
    tile_e = jnp.minimum(tile_e, E - 1)
    tile_local = gids - first_tile[tile_e]
    tile_start = offsets[tile_e] + tile_local * BT
    tile_cnt = jnp.clip(counts[tile_e] - tile_local * BT, 0, BT).astype(jnp.int32)

    row_ids = tile_start[:, None] + jnp.arange(BT, dtype=jnp.int32)[None, :]
    row_valid = jnp.arange(BT, dtype=jnp.int32)[None, :] < tile_cnt[:, None]
    row_ids = jnp.clip(row_ids, 0, N - 1)
    tokens_tile = jnp.where(row_valid, tok_sorted[row_ids], 0)
    w_tile = jnp.where(row_valid, w_sorted[row_ids], 0.0)
    w_tile = w_tile.reshape(G, 1, BT)

    grid_spec = pltpu.PrefetchScalarGridSpec(
        num_scalar_prefetch=3,
        grid=(1,),
        in_specs=[
            pl.BlockSpec((G, 1, BT), lambda g, te, tot, tok: (0, 0, 0)),
            pl.BlockSpec((S, H), lambda g, te, tot, tok: (0, 0)),
            pl.BlockSpec((E, 2 * I), lambda g, te, tot, tok: (0, 0)),
            pl.BlockSpec((E, H), lambda g, te, tot, tok: (0, 0)),
            pl.BlockSpec(memory_space=pl.ANY),
            pl.BlockSpec(memory_space=pl.ANY),
        ],
        out_specs=pl.BlockSpec((S, H), lambda g, te, tot, tok: (0, 0)),
        scratch_shapes=[
            pltpu.VMEM((2, H, 2 * I), jnp.float32),
            pltpu.VMEM((2, I, H), jnp.float32),
            pltpu.VMEM((BT, H), jnp.float32),
            pltpu.VMEM((BT, H), jnp.float32),
            pltpu.SemaphoreType.DMA((2, 6)),
        ],
    )

    out = pl.pallas_call(
        _moe_body,
        grid_spec=grid_spec,
        out_shape=jax.ShapeDtypeStruct((S, H), jnp.float32),
        compiler_params=pltpu.CompilerParams(
            dimension_semantics=("arbitrary",),
        ),
    )(tile_e, total_tiles, tokens_tile,
      w_tile, x, b_gate_up, b_down, W_gate_up, W_down)

    return out.reshape(1, S, H)

# --- scband reference (transcript-rebuilt; emitter-appended) ---
"""Pipeline reference for scband-gpt-oss-experts-57354993271421 (READ-ONLY COPY).

The authoritative reference and input builder live on the scoring server;
editing this copy changes nothing except your own understanding.
"""

import jax, jax.numpy as jnp
import numpy as np

E = 64
TOPK = 2
H = 768
I = 768
B = 1
S = 2048
LIMIT = 7.0
ALPHA = 1.702


def setup_inputs(seed: int = 0) -> dict:
    key = jax.random.key(seed)
    ks = jax.random.split(key, 8)
    hidden_states = jax.random.normal(ks[0], (B, S, H), dtype=jnp.float32)
    router_indices = jax.random.randint(ks[1], (B * S, TOPK), 0, E, dtype=jnp.int64)
    routing_weights = jax.random.uniform(ks[2], (B * S, TOPK), dtype=jnp.float32)
    W_gate_up = jax.random.normal(ks[3], (E, H, 2 * I), dtype=jnp.float32) * 0.02
    b_gate_up = jax.random.normal(ks[4], (E, 2 * I), dtype=jnp.float32) * 0.02
    W_down = jax.random.normal(ks[5], (E, I, H), dtype=jnp.float32) * 0.02
    b_down = jax.random.normal(ks[6], (E, H), dtype=jnp.float32) * 0.02
    return {
        "hidden_states": hidden_states,
        "router_indices": router_indices,
        "routing_weights": routing_weights,
        "W_gate_up": W_gate_up,
        "b_gate_up": b_gate_up,
        "W_down": W_down,
        "b_down": b_down,
    }


def reference(hidden_states, router_indices, routing_weights, W_gate_up, b_gate_up, W_down, b_down):
    batch_size, sequence_length, hidden = hidden_states.shape
    x = hidden_states[0]  # [S, H]
    out = jnp.zeros((sequence_length, hidden), dtype=jnp.float32)
    for e in range(E):
        gu = x @ W_gate_up[e] + b_gate_up[e]
        gate = gu[:, :I]
        up = gu[:, I:]
        gate = jnp.minimum(gate, LIMIT)
        up = jnp.clip(up, -LIMIT, LIMIT)
        glu = gate * jax.nn.sigmoid(gate * ALPHA)
        h = (up + 1.0) * glu
        y = h @ W_down[e] + b_down[e]
        for k in range(TOPK):
            w = jnp.where(router_indices[:, k] == e, routing_weights[:, k], jnp.float32(0.0))
            out = out + y * w[:, None]
    return out.reshape(batch_size, sequence_length, -1)

if __name__ == "__main__":
    import jax
    _d = setup_inputs()
    print(jax.jit(kernel)(*tuple(_d.values())))

</pallas_src>

<mosaic_0001>
module attributes {stable_mosaic.version = 14 : i64} {
  func.func @_moe_body(%arg0: i32, %arg1: memref<96xi32, #tpu.memory_space<smem>>, %arg2: memref<1xi32, #tpu.memory_space<smem>>, %arg3: memref<96x128xi32, #tpu.memory_space<smem>>, %arg4: memref<96x1x128xf32, #tpu.memory_space<vmem>>, %arg5: memref<2048x768xf32, #tpu.memory_space<vmem>>, %arg6: memref<64x1536xf32, #tpu.memory_space<vmem>>, %arg7: memref<64x768xf32, #tpu.memory_space<vmem>>, %arg8: memref<64x768x1536xf32, #tpu.memory_space<any>>, %arg9: memref<64x768x768xf32, #tpu.memory_space<any>>, %arg10: memref<2048x768xf32, #tpu.memory_space<vmem>>, %arg11: memref<2x768x1536xf32, #tpu.memory_space<vmem>>, %arg12: memref<2x768x768xf32, #tpu.memory_space<vmem>>, %arg13: memref<128x768xf32, #tpu.memory_space<vmem>>, %arg14: memref<128x768xf32, #tpu.memory_space<vmem>>, %arg15: memref<2x6x!tpu.dma_semaphore, #tpu.memory_space<semaphore_mem>>) attributes {dimension_semantics = [#tpu.dimension_semantics<arbitrary>], iteration_bounds = array<i64: 1>, scalar_prefetch = 3 : i64, scratch_operands = 5 : i64, tpu.core_type = #tpu.core_type<tc>, window_params = [{pipeline_mode = #tpu.pipeline_mode<synchronous>, transform_indices = @transform_0, window_bounds = array<i64: 96, 1, 128>}, {pipeline_mode = #tpu.pipeline_mode<synchronous>, transform_indices = @transform_1, window_bounds = array<i64: 2048, 768>}, {pipeline_mode = #tpu.pipeline_mode<synchronous>, transform_indices = @transform_2, window_bounds = array<i64: 64, 1536>}, {pipeline_mode = #tpu.pipeline_mode<synchronous>, transform_indices = @transform_3, window_bounds = array<i64: 64, 768>}, {}, {}, {pipeline_mode = #tpu.pipeline_mode<synchronous>, transform_indices = @transform_6, window_bounds = array<i64: 2048, 768>}]} {
    %broadcast_in_dim3A = arith.constant 0.000000e+00 : f32
    %broadcast_in_dim3A_0 = vector.broadcast %broadcast_in_dim3A : f32 to vector<2048x768xf32>
    %swap3A = arith.constant 0 : index
    %swap3A_1 = arith.constant 0 : index
    %swap3A_2 = vector.load %arg10[%swap3A, %swap3A_1] : memref<2048x768xf32, #tpu.memory_space<vmem>>, vector<2048x768xf32>
    tpu.vector_store %arg10[%swap3A, %swap3A_1], %broadcast_in_dim3A_0 {strides = array<i32>} : memref<2048x768xf32, #tpu.memory_space<vmem>>, vector<2048x768xf32>,
    %get3A = arith.constant 0 : index
    %get3A_3 = memref.load %arg1[%get3A] : memref<96xi32, #tpu.memory_space<smem>>
    %dma_start3A = arith.constant 0 : i32
    %dma_start3A_4 = arith.constant 0 : i32
    %dma_start3A_5 = arith.constant 0 : i32
    %dma_start3A_6 = tpu.memref_slice %arg15[%dma_start3A_4, %dma_start3A_5] : memref<2x6x!tpu.dma_semaphore, #tpu.memory_space<semaphore_mem>> -> memref<1x1x!tpu.dma_semaphore, #tpu.memory_space<semaphore_mem>>
    %dma_start3A_7 = tpu.memref_squeeze %dma_start3A_6 : memref<1x1x!tpu.dma_semaphore, #tpu.memory_space<semaphore_mem>> -> memref<!tpu.dma_semaphore, #tpu.memory_space<semaphore_mem>>
    %dma_start3A_8 = arith.constant 0 : i32
    %dma_start3A_9 = arith.constant 0 : i32
    %dma_start3A_10 = tpu.memref_slice %arg11[%dma_start3A, %dma_start3A_8, %dma_start3A_9] : memref<2x768x1536xf32, #tpu.memory_space<vmem>> -> memref<1x192x1536xf32, #tpu.memory_space<vmem>>
    %dma_start3A_11 = tpu.memref_squeeze %dma_start3A_10 : memref<1x192x1536xf32, #tpu.memory_space<vmem>> -> memref<192x1536xf32, #tpu.memory_space<vmem>>
    %dma_start3A_12 = arith.constant 0 : i32
    %dma_start3A_13 = arith.constant 0 : i32
    %dma_start3A_14 = tpu.memref_slice %arg8[%get3A_3, %dma_start3A_12, %dma_start3A_13] : memref<64x768x1536xf32, #tpu.memory_space<any>> -> memref<1x192x1536xf32, #tpu.memory_space<any>>
    %dma_start3A_15 = tpu.memref_squeeze %dma_start3A_14 : memref<1x192x1536xf32, #tpu.memory_space<any>> -> memref<192x1536xf32, #tpu.memory_space<any>>
    tpu.enqueue_dma source(%dma_start3A_15 : memref<192x1536xf32, #tpu.memory_space<any>>) target(%dma_start3A_11 : memref<192x1536xf32, #tpu.memory_space<vmem>>) target_semaphore(%dma_start3A_7 : memref<!tpu.dma_semaphore, #tpu.memory_space<semaphore_mem>>)
    %dma_start3A_16 = arith.constant 0 : i32
    %dma_start3A_17 = arith.constant 0 : i32
    %dma_start3A_18 = arith.constant 1 : i32
    %dma_start3A_19 = tpu.memref_slice %arg15[%dma_start3A_17, %dma_start3A_18] : memref<2x6x!tpu.dma_semaphore, #tpu.memory_space<semaphore_mem>> -> memref<1x1x!tpu.dma_semaphore, #tpu.memory_space<semaphore_mem>>
    %dma_start3A_20 = tpu.memref_squeeze %dma_start3A_19 : memref<1x1x!tpu.dma_semaphore, #tpu.memory_space<semaphore_mem>> -> memref<!tpu.dma_semaphore, #tpu.memory_space<semaphore_mem>>
    %dma_start3A_21 = arith.constant 192 : i32
    %dma_start3A_22 = arith.constant 0 : i32
    %dma_start3A_23 = tpu.memref_slice %arg11[%dma_start3A_16, %dma_start3A_21, %dma_start3A_22] : memref<2x768x1536xf32, #tpu.memory_space<vmem>> -> memref<1x192x1536xf32, #tpu.memory_space<vmem>>
    %dma_start3A_24 = tpu.memref_squeeze %dma_start3A_23 : memref<1x192x1536xf32, #tpu.memory_space<vmem>> -> memref<192x1536xf32, #tpu.memory_space<vmem>>
    %dma_start3A_25 = arith.constant 192 : i32
    %dma_start3A_26 = arith.constant 0 : i32
    %dma_start3A_27 = tpu.memref_slice %arg8[%get3A_3, %dma_start3A_25, %dma_start3A_26] : memref<64x768x1536xf32, #tpu.memory_space<any>> -> memref<1x192x1536xf32, #tpu.memory_space<any>>
    %dma_start3A_28 = tpu.memref_squeeze %dma_start3A_27 : memref<1x192x1536xf32, #tpu.memory_space<any>> -> memref<192x1536xf32, #tpu.memory_space<any>>
    tpu.enqueue_dma source(%dma_start3A_28 : memref<192x1536xf32, #tpu.memory_space<any>>) target(%dma_start3A_24 : memref<192x1536xf32, #tpu.memory_space<vmem>>) target_semaphore(%dma_start3A_20 : memref<!tpu.dma_semaphore, #tpu.memory_space<semaphore_mem>>)
    %dma_start3A_29 = arith.constant 0 : i32
    %dma_start3A_30 = arith.constant 0 : i32
    %dma_start3A_31 = arith.constant 2 : i32
    %dma_start3A_32 = tpu.memref_slice %arg15[%dma_start3A_30, %dma_start3A_31] : memref<2x6x!tpu.dma_semaphore, #tpu.memory_space<semaphore_mem>> -> memref<1x1x!tpu.dma_semaphore, #tpu.memory_space<semaphore_mem>>
    %dma_start3A_33 = tpu.memref_squeeze %dma_start3A_32 : memref<1x1x!tpu.dma_semaphore, #tpu.memory_space<semaphore_mem>> -> memref<!tpu.dma_semaphore, #tpu.memory_space<semaphore_mem>>
    %dma_start3A_34 = arith.constant 384 : i32
    %dma_start3A_35 = arith.constant 0 : i32
    %dma_start3A_36 = tpu.memref_slice %arg11[%dma_start3A_29, %dma_start3A_34, %dma_start3A_35] : memref<2x768x1536xf32, #tpu.memory_space<vmem>> -> memref<1x192x1536xf32, #tpu.memory_space<vmem>>
    %dma_start3A_37 = tpu.memref_squeeze %dma_start3A_36 : memref<1x192x1536xf32, #tpu.memory_space<vmem>> -> memref<192x1536xf32, #tpu.memory_space<vmem>>
    %dma_start3A_38 = arith.constant 384 : i32
    %dma_start3A_39 = arith.constant 0 : i32
    %dma_start3A_40 = tpu.memref_slice %arg8[%get3A_3, %dma_start3A_38, %dma_start3A_39] : memref<64x768x1536xf32, #tpu.memory_space<any>> -> memref<1x192x1536xf32, #tpu.memory_space<any>>
    %dma_start3A_41 = tpu.memref_squeeze %dma_start3A_40 : memref<1x192x1536xf32, #tpu.memory_space<any>> -> memref<192x1536xf32, #tpu.memory_space<any>>
    tpu.enqueue_dma source(%dma_start3A_41 : memref<192x1536xf32, #tpu.memory_space<any>>) target(%dma_start3A_37 : memref<192x1536xf32, #tpu.memory_space<vmem>>) target_semaphore(%dma_start3A_33 : memref<!tpu.dma_semaphore, #tpu.memory_space<semaphore_mem>>)
    %dma_start3A_42 = arith.constant 0 : i32
    %dma_start3A_43 = arith.constant 0 : i32
    %dma_start3A_44 = arith.constant 3 : i32
    %dma_start3A_45 = tpu.memref_slice %arg15[%dma_start3A_43, %dma_start3A_44] : memref<2x6x!tpu.dma_semaphore, #tpu.memory_space<semaphore_mem>> -> memref<1x1x!tpu.dma_semaphore, #tpu.memory_space<semaphore_mem>>
    %dma_start3A_46 = tpu.memref_squeeze %dma_start3A_45 : memref<1x1x!tpu.dma_semaphore, #tpu.memory_space<semaphore_mem>> -> memref<!tpu.dma_semaphore, #tpu.memory_space<semaphore_mem>>
    %dma_start3A_47 = arith.constant 576 : i32
    %dma_start3A_48 = arith.constant 0 : i32
    %dma_start3A_49 = tpu.memref_slice %arg11[%dma_start3A_42, %dma_start3A_47, %dma_start3A_48] : memref<2x768x1536xf32, #tpu.memory_space<vmem>> -> memref<1x192x1536xf32, #tpu.memory_space<vmem>>
    %dma_start3A_50 = tpu.memref_squeeze %dma_start3A_49 : memref<1x192x1536xf32, #tpu.memory_space<vmem>> -> memref<192x1536xf32, #tpu.memory_space<vmem>>
    %dma_start3A_51 = arith.constant 576 : i32
    %dma_start3A_52 = arith.constant 0 : i32
    %dma_start3A_53 = tpu.memref_slice %arg8[%get3A_3, %dma_start3A_51, %dma_start3A_52] : memref<64x768x1536xf32, #tpu.memory_space<any>> -> memref<1x192x1536xf32, #tpu.memory_space<any>>
    %dma_start3A_54 = tpu.memref_squeeze %dma_start3A_53 : memref<1x192x1536xf32, #tpu.memory_space<any>> -> memref<192x1536xf32, #tpu.memory_space<any>>
    tpu.enqueue_dma source(%dma_start3A_54 : memref<192x1536xf32, #tpu.memory_space<any>>) target(%dma_start3A_50 : memref<192x1536xf32, #tpu.memory_space<vmem>>) target_semaphore(%dma_start3A_46 : memref<!tpu.dma_semaphore, #tpu.memory_space<semaphore_mem>>)
    %dma_start3A_55 = arith.constant 0 : i32
    %dma_start3A_56 = arith.constant 0 : i32
    %dma_start3A_57 = arith.constant 4 : i32
    %dma_start3A_58 = tpu.memref_slice %arg15[%dma_start3A_56, %dma_start3A_57] : memref<2x6x!tpu.dma_semaphore, #tpu.memory_space<semaphore_mem>> -> memref<1x1x!tpu.dma_semaphore, #tpu.memory_space<semaphore_mem>>
    %dma_start3A_59 = tpu.memref_squeeze %dma_start3A_58 : memref<1x1x!tpu.dma_semaphore, #tpu.memory_space<semaphore_mem>> -> memref<!tpu.dma_semaphore, #tpu.memory_space<semaphore_mem>>
    %dma_start3A_60 = arith.constant 0 : i32
    %dma_start3A_61 = arith.constant 0 : i32
    %dma_start3A_62 = tpu.memref_slice %arg12[%dma_start3A_55, %dma_start3A_60, %dma_start3A_61] : memref<2x768x768xf32, #tpu.memory_space<vmem>> -> memref<1x384x768xf32, #tpu.memory_space<vmem>>
    %dma_start3A_63 = tpu.memref_squeeze %dma_start3A_62 : memref<1x384x768xf32, #tpu.memory_space<vmem>> -> memref<384x768xf32, #tpu.memory_space<vmem>>
    %dma_start3A_64 = arith.constant 0 : i32
    %dma_start3A_65 = arith.constant 0 : i32
    %dma_start3A_66 = tpu.memref_slice %arg9[%get3A_3, %dma_start3A_64, %dma_start3A_65] : memref<64x768x768xf32, #tpu.memory_space<any>> -> memref<1x384x768xf32, #tpu.memory_space<any>>
    %dma_start3A_67 = tpu.memref_squeeze %dma_start3A_66 : memref<1x384x768xf32, #tpu.memory_space<any>> -> memref<384x768xf32, #tpu.memory_space<any>>
    tpu.enqueue_dma source(%dma_start3A_67 : memref<384x768xf32, #tpu.memory_space<any>>) target(%dma_start3A_63 : memref<384x768xf32, #tpu.memory_space<vmem>>) target_semaphore(%dma_start3A_59 : memref<!tpu.dma_semaphore, #tpu.memory_space<semaphore_mem>>)
    %dma_start3A_68 = arith.constant 0 : i32
    %dma_start3A_69 = arith.constant 0 : i32
    %dma_start3A_70 = arith.constant 5 : i32
    %dma_start3A_71 = tpu.memref_slice %arg15[%dma_start3A_69, %dma_start3A_70] : memref<2x6x!tpu.dma_semaphore, #tpu.memory_space<semaphore_mem>> -> memref<1x1x!tpu.dma_semaphore, #tpu.memory_space<semaphore_mem>>
    %dma_start3A_72 = tpu.memref_squeeze %dma_start3A_71 : memref<1x1x!tpu.dma_semaphore, #tpu.memory_space<semaphore_mem>> -> memref<!tpu.dma_semaphore, #tpu.memory_space<semaphore_mem>>
    %dma_start3A_73 = arith.constant 384 : i32
    %dma_start3A_74 = arith.constant 0 : i32
    %dma_start3A_75 = tpu.memref_slice %arg12[%dma_start3A_68, %dma_start3A_73, %dma_start3A_74] : memref<2x768x768xf32, #tpu.memory_space<vmem>> -> memref<1x384x768xf32, #tpu.memory_space<vmem>>
    %dma_start3A_76 = tpu.memref_squeeze %dma_start3A_75 : memref<1x384x768xf32, #tpu.memory_space<vmem>> -> memref<384x768xf32, #tpu.memory_space<vmem>>
    %dma_start3A_77 = arith.constant 384 : i32
    %dma_start3A_78 = arith.constant 0 : i32
    %dma_start3A_79 = tpu.memref_slice %arg9[%get3A_3, %dma_start3A_77, %dma_start3A_78] : memref<64x768x768xf32, #tpu.memory_space<any>> -> memref<1x384x768xf32, #tpu.memory_space<any>>
    %dma_start3A_80 = tpu.memref_squeeze %dma_start3A_79 : memref<1x384x768xf32, #tpu.memory_space<any>> -> memref<384x768xf32, #tpu.memory_space<any>>
    tpu.enqueue_dma source(%dma_start3A_80 : memref<384x768xf32, #tpu.memory_space<any>>) target(%dma_start3A_76 : memref<384x768xf32, #tpu.memory_space<vmem>>) target_semaphore(%dma_start3A_72 : memref<!tpu.dma_semaphore, #tpu.memory_space<semaphore_mem>>)
    %get3A_81 = arith.constant 0 : index
    %get3A_82 = memref.load %arg1[%get3A_81] : memref<96xi32, #tpu.memory_space<smem>>
    %dma_wait3A = arith.constant 0 : i32
    %dma_wait3A_83 = arith.constant 0 : i32
    %dma_wait3A_84 = arith.constant 0 : i32
    %dma_wait3A_85 = tpu.memref_slice %arg15[%dma_wait3A_83, %dma_wait3A_84] : memref<2x6x!tpu.dma_semaphore, #tpu.memory_space<semaphore_mem>> -> memref<1x1x!tpu.dma_semaphore, #tpu.memory_space<semaphore_mem>>
    %dma_wait3A_86 = tpu.memref_squeeze %dma_wait3A_85 : memref<1x1x!tpu.dma_semaphore, #tpu.memory_space<semaphore_mem>> -> memref<!tpu.dma_semaphore, #tpu.memory_space<semaphore_mem>>
    %dma_wait3A_87 = arith.constant 0 : i32
    %dma_wait3A_88 = arith.constant 0 : i32
    %dma_wait3A_89 = tpu.memref_slice %arg11[%dma_wait3A, %dma_wait3A_87, %dma_wait3A_88] : memref<2x768x1536xf32, #tpu.memory_space<vmem>> -> memref<1x192x1536xf32, #tpu.memory_space<vmem>>
    %dma_wait3A_90 = tpu.memref_squeeze %dma_wait3A_89 : memref<1x192x1536xf32, #tpu.memory_space<vmem>> -> memref<192x1536xf32, #tpu.memory_space<vmem>>
    %dma_wait3A_91 = arith.constant 0 : i32
    %dma_wait3A_92 = arith.constant 0 : i32
    %dma_wait3A_93 = tpu.memref_slice %arg8[%get3A_82, %dma_wait3A_91, %dma_wait3A_92] : memref<64x768x1536xf32, #tpu.memory_space<any>> -> memref<1x192x1536xf32, #tpu.memory_space<any>>
    %dma_wait3A_94 = tpu.memref_squeeze %dma_wait3A_93 : memref<1x192x1536xf32, #tpu.memory_space<any>> -> memref<192x1536xf32, #tpu.memory_space<any>>
    tpu.wait_dma2 semaphore(%dma_wait3A_86 : memref<!tpu.dma_semaphore, #tpu.memory_space<semaphore_mem>>) src(%dma_wait3A_94 : memref<192x1536xf32, #tpu.memory_space<any>>) dst(%dma_wait3A_90 : memref<192x1536xf32, #tpu.memory_space<vmem>>)
    %dma_wait3A_95 = arith.constant 0 : i32
    %dma_wait3A_96 = arith.constant 0 : i32
    %dma_wait3A_97 = arith.constant 1 : i32
    %dma_wait3A_98 = tpu.memref_slice %arg15[%dma_wait3A_96, %dma_wait3A_97] : memref<2x6x!tpu.dma_semaphore, #tpu.memory_space<semaphore_mem>> -> memref<1x1x!tpu.dma_semaphore, #tpu.memory_space<semaphore_mem>>
    %dma_wait3A_99 = tpu.memref_squeeze %dma_wait3A_98 : memref<1x1x!tpu.dma_semaphore, #tpu.memory_space<semaphore_mem>> -> memref<!tpu.dma_semaphore, #tpu.memory_space<semaphore_mem>>
    %dma_wait3A_100 = arith.constant 192 : i32
    %dma_wait3A_101 = arith.constant 0 : i32
    %dma_wait3A_102 = tpu.memref_slice %arg11[%dma_wait3A_95, %dma_wait3A_100, %dma_wait3A_101] : memref<2x768x1536xf32, #tpu.memory_space<vmem>> -> memref<1x192x1536xf32, #tpu.memory_space<vmem>>
    %dma_wait3A_103 = tpu.memref_squeeze %dma_wait3A_102 : memref<1x192x1536xf32, #tpu.memory_space<vmem>> -> memref<192x1536xf32, #tpu.memory_space<vmem>>
    %dma_wait3A_104 = arith.constant 192 : i32
    %dma_wait3A_105 = arith.constant 0 : i32
    %dma_wait3A_106 = tpu.memref_slice %arg8[%get3A_82, %dma_wait3A_104, %dma_wait3A_105] : memref<64x768x1536xf32, #tpu.memory_space<any>> -> memref<1x192x1536xf32, #tpu.memory_space<any>>
    %dma_wait3A_107 = tpu.memref_squeeze %dma_wait3A_106 : memref<1x192x1536xf32, #tpu.memory_space<any>> -> memref<192x1536xf32, #tpu.memory_space<any>>
    tpu.wait_dma2 semaphore(%dma_wait3A_99 : memref<!tpu.dma_semaphore, #tpu.memory_space<semaphore_mem>>) src(%dma_wait3A_107 : memref<192x1536xf32, #tpu.memory_space<any>>) dst(%dma_wait3A_103 : memref<192x1536xf32, #tpu.memory_space<vmem>>)
    %dma_wait3A_108 = arith.constant 0 : i32
    %dma_wait3A_109 = arith.constant 0 : i32
    %dma_wait3A_110 = arith.constant 2 : i32
    %dma_wait3A_111 = tpu.memref_slice %arg15[%dma_wait3A_109, %dma_wait3A_110] : memref<2x6x!tpu.dma_semaphore, #tpu.memory_space<semaphore_mem>> -> memref<1x1x!tpu.dma_semaphore, #tpu.memory_space<semaphore_mem>>
    %dma_wait3A_112 = tpu.memref_squeeze %dma_wait3A_111 : memref<1x1x!tpu.dma_semaphore, #tpu.memory_space<semaphore_mem>> -> memref<!tpu.dma_semaphore, #tpu.memory_space<semaphore_mem>>
    %dma_wait3A_113 = arith.constant 384 : i32
    %dma_wait3A_114 = arith.constant 0 : i32
    %dma_wait3A_115 = tpu.memref_slice %arg11[%dma_wait3A_108, %dma_wait3A_113, %dma_wait3A_114] : memref<2x768x1536xf32, #tpu.memory_space<vmem>> -> memref<1x192x1536xf32, #tpu.memory_space<vmem>>
    %dma_wait3A_116 = tpu.memref_squeeze %dma_wait3A_115 : memref<1x192x1536xf32, #tpu.memory_space<vmem>> -> memref<192x1536xf32, #tpu.memory_space<vmem>>
    %dma_wait3A_117 = arith.constant 384 : i32
    %dma_wait3A_118 = arith.constant 0 : i32
    %dma_wait3A_119 = tpu.memref_slice %arg8[%get3A_82, %dma_wait3A_117, %dma_wait3A_118] : memref<64x768x1536xf32, #tpu.memory_space<any>> -> memref<1x192x1536xf32, #tpu.memory_space<any>>
    %dma_wait3A_120 = tpu.memref_squeeze %dma_wait3A_119 : memref<1x192x1536xf32, #tpu.memory_space<any>> -> memref<192x1536xf32, #tpu.memory_space<any>>
    tpu.wait_dma2 semaphore(%dma_wait3A_112 : memref<!tpu.dma_semaphore, #tpu.memory_space<semaphore_mem>>) src(%dma_wait3A_120 : memref<192x1536xf32, #tpu.memory_space<any>>) dst(%dma_wait3A_116 : memref<192x1536xf32, #tpu.memory_space<vmem>>)
    %dma_wait3A_121 = arith.constant 0 : i32
    %dma_wait3A_122 = arith.constant 0 : i32
    %dma_wait3A_123 = arith.constant 3 : i32
    %dma_wait3A_124 = tpu.memref_slice %arg15[%dma_wait3A_122, %dma_wait3A_123] : memref<2x6x!tpu.dma_semaphore, #tpu.memory_space<semaphore_mem>> -> memref<1x1x!tpu.dma_semaphore, #tpu.memory_space<semaphore_mem>>
    %dma_wait3A_125 = tpu.memref_squeeze %dma_wait3A_124 : memref<1x1x!tpu.dma_semaphore, #tpu.memory_space<semaphore_mem>> -> memref<!tpu.dma_semaphore, #tpu.memory_space<semaphore_mem>>
    %dma_wait3A_126 = arith.constant 576 : i32
    %dma_wait3A_127 = arith.constant 0 : i32
    %dma_wait3A_128 = tpu.memref_slice %arg11[%dma_wait3A_121, %dma_wait3A_126, %dma_wait3A_127] : memref<2x768x1536xf32, #tpu.memory_space<vmem>> -> memref<1x192x1536xf32, #tpu.memory_space<vmem>>
    %dma_wait3A_129 = tpu.memref_squeeze %dma_wait3A_128 : memref<1x192x1536xf32, #tpu.memory_space<vmem>> -> memref<192x1536xf32, #tpu.memory_space<vmem>>
    %dma_wait3A_130 = arith.constant 576 : i32
    %dma_wait3A_131 = arith.constant 0 : i32
    %dma_wait3A_132 = tpu.memref_slice %arg8[%get3A_82, %dma_wait3A_130, %dma_wait3A_131] : memref<64x768x1536xf32, #tpu.memory_space<any>> -> memref<1x192x1536xf32, #tpu.memory_space<any>>
    %dma_wait3A_133 = tpu.memref_squeeze %dma_wait3A_132 : memref<1x192x1536xf32, #tpu.memory_space<any>> -> memref<192x1536xf32, #tpu.memory_space<any>>
    tpu.wait_dma2 semaphore(%dma_wait3A_125 : memref<!tpu.dma_semaphore, #tpu.memory_space<semaphore_mem>>) src(%dma_wait3A_133 : memref<192x1536xf32, #tpu.memory_space<any>>) dst(%dma_wait3A_129 : memref<192x1536xf32, #tpu.memory_space<vmem>>)
    %dma_wait3A_134 = arith.constant 0 : i32
    %dma_wait3A_135 = arith.constant 0 : i32
    %dma_wait3A_136 = arith.constant 4 : i32
    %dma_wait3A_137 = tpu.memref_slice %arg15[%dma_wait3A_135, %dma_wait3A_136] : memref<2x6x!tpu.dma_semaphore, #tpu.memory_space<semaphore_mem>> -> memref<1x1x!tpu.dma_semaphore, #tpu.memory_space<semaphore_mem>>
    %dma_wait3A_138 = tpu.memref_squeeze %dma_wait3A_137 : memref<1x1x!tpu.dma_semaphore, #tpu.memory_space<semaphore_mem>> -> memref<!tpu.dma_semaphore, #tpu.memory_space<semaphore_mem>>
    %dma_wait3A_139 = arith.constant 0 : i32
    %dma_wait3A_140 = arith.constant 0 : i32
    %dma_wait3A_141 = tpu.memref_slice %arg12[%dma_wait3A_134, %dma_wait3A_139, %dma_wait3A_140] : memref<2x768x768xf32, #tpu.memory_space<vmem>> -> memref<1x384x768xf32, #tpu.memory_space<vmem>>
    %dma_wait3A_142 = tpu.memref_squeeze %dma_wait3A_141 : memref<1x384x768xf32, #tpu.memory_space<vmem>> -> memref<384x768xf32, #tpu.memory_space<vmem>>
    %dma_wait3A_143 = arith.constant 0 : i32
    %dma_wait3A_144 = arith.constant 0 : i32
    %dma_wait3A_145 = tpu.memref_slice %arg9[%get3A_82, %dma_wait3A_143, %dma_wait3A_144] : memref<64x768x768xf32, #tpu.memory_space<any>> -> memref<1x384x768xf32, #tpu.memory_space<any>>
    %dma_wait3A_146 = tpu.memref_squeeze %dma_wait3A_145 : memref<1x384x768xf32, #tpu.memory_space<any>> -> memref<384x768xf32, #tpu.memory_space<any>>
    tpu.wait_dma2 semaphore(%dma_wait3A_138 : memref<!tpu.dma_semaphore, #tpu.memory_space<semaphore_mem>>) src(%dma_wait3A_146 : memref<384x768xf32, #tpu.memory_space<any>>) dst(%dma_wait3A_142 : memref<384x768xf32, #tpu.memory_space<vmem>>)
    %dma_wait3A_147 = arith.constant 0 : i32
    %dma_wait3A_148 = arith.constant 0 : i32
    %dma_wait3A_149 = arith.constant 5 : i32
    %dma_wait3A_150 = tpu.memref_slice %arg15[%dma_wait3A_148, %dma_wait3A_149] : memref<2x6x!tpu.dma_semaphore, #tpu.memory_space<semaphore_mem>> -> memref<1x1x!tpu.dma_semaphore, #tpu.memory_space<semaphore_mem>>
    %dma_wait3A_151 = tpu.memref_squeeze %dma_wait3A_150 : memref<1x1x!tpu.dma_semaphore, #tpu.memory_space<semaphore_mem>> -> memref<!tpu.dma_semaphore, #tpu.memory_space<semaphore_mem>>
    %dma_wait3A_152 = arith.constant 384 : i32
    %dma_wait3A_153 = arith.constant 0 : i32
    %dma_wait3A_154 = tpu.memref_slice %arg12[%dma_wait3A_147, %dma_wait3A_152, %dma_wait3A_153] : memref<2x768x768xf32, #tpu.memory_space<vmem>> -> memref<1x384x768xf32, #tpu.memory_space<vmem>>
    %dma_wait3A_155 = tpu.memref_squeeze %dma_wait3A_154 : memref<1x384x768xf32, #tpu.memory_space<vmem>> -> memref<384x768xf32, #tpu.memory_space<vmem>>
    %dma_wait3A_156 = arith.constant 384 : i32
    %dma_wait3A_157 = arith.constant 0 : i32
    %dma_wait3A_158 = tpu.memref_slice %arg9[%get3A_82, %dma_wait3A_156, %dma_wait3A_157] : memref<64x768x768xf32, #tpu.memory_space<any>> -> memref<1x384x768xf32, #tpu.memory_space<any>>
    %dma_wait3A_159 = tpu.memref_squeeze %dma_wait3A_158 : memref<1x384x768xf32, #tpu.memory_space<any>> -> memref<384x768xf32, #tpu.memory_space<any>>
    tpu.wait_dma2 semaphore(%dma_wait3A_151 : memref<!tpu.dma_semaphore, #tpu.memory_space<semaphore_mem>>) src(%dma_wait3A_159 : memref<384x768xf32, #tpu.memory_space<any>>) dst(%dma_wait3A_155 : memref<384x768xf32, #tpu.memory_space<vmem>>)
    %get3A_160 = arith.constant 0 : index
    %get3A_161 = arith.constant 0 : index
    %get3A_162 = vector.load %arg5[%get3A_160, %get3A_161] : memref<2048x768xf32, #tpu.memory_space<vmem>>, vector<128x768xf32>
    %swap3A_163 = arith.constant 0 : index
    %swap3A_164 = arith.constant 0 : index
    %swap3A_165 = vector.load %arg13[%swap3A_163, %swap3A_164] : memref<128x768xf32, #tpu.memory_space<vmem>>, vector<128x768xf32>
    tpu.vector_store %arg13[%swap3A_163, %swap3A_164], %get3A_162 {strides = array<i32>} : memref<128x768xf32, #tpu.memory_space<vmem>>, vector<128x768xf32>,
    %get3A_166 = arith.constant 0 : index
    %get3A_167 = arith.constant 0 : index
    %get3A_168 = vector.load %arg13[%get3A_166, %get3A_167] : memref<128x768xf32, #tpu.memory_space<vmem>>, vector<128x768xf32>
    %get3A_169 = arith.constant 0 : index
    %get3A_170 = arith.constant 0 : index
    %get3A_171 = arith.constant 0 : index
    %get3A_172 = vector.load %arg4[%get3A_169, %get3A_170, %get3A_171] : memref<96x1x128xf32, #tpu.memory_space<vmem>>, vector<1x1x128xf32>
    %get3A_173 = vector.shape_cast %get3A_172 : vector<1x1x128xf32> to vector<128xf32>
    %broadcast_in_dim3A_174 = vector.shape_cast %get3A_173 : vector<128xf32> to vector<128x1xf32>
    %mul3A = vector.broadcast %broadcast_in_dim3A_174 : vector<128x1xf32> to vector<128x768xf32>
    %mul3A_175 = arith.mulf %get3A_168, %mul3A : vector<128x768xf32>
    %swap3A_176 = arith.constant 0 : index
    %swap3A_177 = arith.constant 0 : index
    %swap3A_178 = vector.load %arg14[%swap3A_176, %swap3A_177] : memref<128x768xf32, #tpu.memory_space<vmem>>, vector<128x768xf32>
    tpu.vector_store %arg14[%swap3A_176, %swap3A_177], %mul3A_175 {strides = array<i32>} : memref<128x768xf32, #tpu.memory_space<vmem>>, vector<128x768xf32>,
    %get3A_179 = arith.constant 0 : index
    %get3A_180 = arith.constant 0 : index
    %get3A_181 = vector.load %arg10[%get3A_179, %get3A_180] : memref<2048x768xf32, #tpu.memory_space<vmem>>, vector<128x768xf32>
    %get3A_182 = arith.constant 0 : index
    %get3A_183 = arith.constant 0 : index
    %get3A_184 = vector.load %arg14[%get3A_182, %get3A_183] : memref<128x768xf32, #tpu.memory_space<vmem>>, vector<128x768xf32>
    %add3A = arith.addf %get3A_181, %get3A_184 : vector<128x768xf32>
    %swap3A_185 = arith.constant 0 : index
    %swap3A_186 = arith.constant 0 : index
    %swap3A_187 = vector.load %arg10[%swap3A_185, %swap3A_186] : memref<2048x768xf32, #tpu.memory_space<vmem>>, vector<128x768xf32>
    tpu.vector_store %arg10[%swap3A_185, %swap3A_186], %add3A {strides = array<i32>} : memref<2048x768xf32, #tpu.memory_space<vmem>>, vector<128x768xf32>,
    return
  }
  func.func @transform_0(%arg0: i32, %arg1: memref<96xi32, #tpu.memory_space<smem>>, %arg2: memref<1xi32, #tpu.memory_space<smem>>, %arg3: memref<96x128xi32, #tpu.memory_space<smem>>) -> (i32, i32, i32) {
    %c0_i32 = arith.constant 0 : i32
    %c0_i32_0 = arith.constant 0 : i32
    %c0_i32_1 = arith.constant 0 : i32
    %c0_i32_2 = arith.constant 0 : i32
    return %c0_i32, %c0_i32_0, %c0_i32_1 : i32, i32, i32
  }
  func.func @transform_1(%arg0: i32, %arg1: memref<96xi32, #tpu.memory_space<smem>>, %arg2: memref<1xi32, #tpu.memory_space<smem>>, %arg3: memref<96x128xi32, #tpu.memory_space<smem>>) -> (i32, i32) {
    %c0_i32 = arith.constant 0 : i32
    %c0_i32_0 = arith.constant 0 : i32
    %c0_i32_1 = arith.constant 0 : i32
    return %c0_i32, %c0_i32_0 : i32, i32
  }
  func.func @transform_2(%arg0: i32, %arg1: memref<96xi32, #tpu.memory_space<smem>>, %arg2: memref<1xi32, #tpu.memory_space<smem>>, %arg3: memref<96x128xi32, #tpu.memory_space<smem>>) -> (i32, i32) {
    %c0_i32 = arith.constant 0 : i32
    %c0_i32_0 = arith.constant 0 : i32
    %c0_i32_1 = arith.constant 0 : i32
    return %c0_i32, %c0_i32_0 : i32, i32
  }
  func.func @transform_3(%arg0: i32, %arg1: memref<96xi32, #tpu.memory_space<smem>>, %arg2: memref<1xi32, #tpu.memory_space<smem>>, %arg3: memref<96x128xi32, #tpu.memory_space<smem>>) -> (i32, i32) {
    %c0_i32 = arith.constant 0 : i32
    %c0_i32_0 = arith.constant 0 : i32
    %c0_i32_1 = arith.constant 0 : i32
    return %c0_i32, %c0_i32_0 : i32, i32
  }
  func.func @transform_6(%arg0: i32, %arg1: memref<96xi32, #tpu.memory_space<smem>>, %arg2: memref<1xi32, #tpu.memory_space<smem>>, %arg3: memref<96x128xi32, #tpu.memory_space<smem>>) -> (i32, i32) {
    %c0_i32 = arith.constant 0 : i32
    %c0_i32_0 = arith.constant 0 : i32
    %c0_i32_1 = arith.constant 0 : i32
    return %c0_i32, %c0_i32_0 : i32, i32
  }
}

</mosaic_0001>

<sc_bundles>
// kernel: gather_offload_async_start
scs
__scs_entry_jumppad:
0x0: {  	(pc) =	sbr.rel $0x88, $3  }
0x1: {  	(tag) =	ssettag $0x0;
	lr =	simm.s32 $0x1  }
0x2: {  	[smem:$0x3F9A] =	sst lr;
	_ =	strace $0xD0000000  }
0x3: {  	_ = 	snop  }
0x4: {  	_ = 	snop  }
0x5: {  	_ = 	snop  }
0x6: {  	_ = 	snop  }
0x7: {  	_ = 	snop  }
__scs_overlays_trampoline_lowered:
0x8: {  	[smem:$0x3FA9] =	sst s0  }
0x9: {  	[smem:$0x3FAA] =	sst s1  }
0xa: {  	[smem:$0x3FAB] =	sst s2  }
0xb: {  	[smem:$0x3FAC] =	sst s3  }
0xc: {  	[smem:$0x3FAD] =	sst s4  }
0xd: {  	[smem:$0x3FAE] =	sst s5  }
0xe: {  	[smem:$0x3FAF] =	sst s6  }
0xf: {  	[smem:$0x3FB0] =	sst s7  }
0x10: {  	[smem:$0x3FB1] =	sst s8  }
0x11: {  	[smem:$0x3FB2] =	sst s9;
	s0 =	simm.s32 @!p0 $0x0  }
0x12: {  	s1 =	sld [smem:$0x3F98];
	s0 =	simm.s32 @p0 $0x1  }
0x13: {  	[smem:$0x3FB3] =	sst s0;
	s0 =	simm.s32 @!p1 $0x0  }
0x14: {  	s2 =	sld [smem:$0x3F97];
	s0 =	simm.s32 @p1 $0x1  }
0x15: {  	[smem:$0x3FB4] =	sst s0;
	s0 =	simm.s32 @!p2 $0x0  }
0x16: {  	s3 =	sld [smem:$0x3FDB];
	s0 =	simm.s32 @p2 $0x1  }
0x17: {  	s4 =	simm.s32 $0x1BF5;
	[smem:$0x3FB6] =	sst s0  }
0x18: {  	s0 =	sld [smem:$0x3F99];
	_ =	swait.ge [sflag:s4], $0x0  }
0x19: {  	s7 =	sld [smem:$0x3F9A]  }
0x1a: {  	s8 =	sadd.s32 $0xFFFFE003, lr  }
0x1b: {  	s9 =	sadd.s32 $0xFFFFFEF7, lr;
	s5 =	simm.s32 $0xFFFFFFFF;
	p2 =	slt.u32 s8, $0xFFFFF086  }
0x1c: {  	p1 =	slt.u32 s9, $0xF7A;
	s5 =	simm.s32 @!p2 $0x0  }
0x1d: {  	s5 =	simm.s32 @p1 $0x1;
	p0 =	seq.s32 s7, s2  }
0x1e: {  	s7 =	smul.u32 @!p0 $0xF7A, s2;
	p2 =	seq.s32 @!p0 s5, $0x0  }
0x1f: {  	s9 =	smul.u32 $0xF7A, s1;
	s8 =	simm.s32 @!p0 $0x1BF5;
	p2 =	por !p2, p0  }
0x20: {  	[sflag:s8] =	ssyncset.s32 @!p0 $0xFFFFF086;
	s6 =	sadd.s32 @!p0 s3, s7;
	s7 =	simm.s32 @!p0 $0x108  }
0x21: {  	s3 =	sadd.s32 s3, s9;
	s6 =	sadd.s32 @!p0 $0x88, s6;
	s7 =	simm.s32 @p2 $0x1082  }
0x22: {  	[simem:s7], [sflag:s8] =	dma.local @!p0 [hbm:s6], $0xF7A  }
0x23: {  	s9 =	sor.u32 $0xD0000000, s2;
	s6 =	simm.s32 $0x108;
	_ =	swait.ge @!p0 [sflag:s8], $0x0  }
0x24: {  	s3 =	sadd.s32 $0x88, s3;
	s6 =	simm.s32 @!p1 $0x1082;
	[sflag:s4] =	ssyncset.s32 $0xFFFFF086  }
0x25: {  	[simem:s6], [sflag:s4] =	dma.local [hbm:s3], $0xF7A  }
0x26: {  	[smem:$0x3F9A] =	sst s1;
	(tag) =	ssettag s2;
	_ =	strace s9  }
0x27: {  	s1 =	sld [smem:$0x3FAA]  }
0x28: {  	s2 =	sld [smem:$0x3FAB]  }
0x29: {  	s4 =	sld [smem:$0x3FAD]  }
0x2a: {  	p0 =	seq.s32 s5, $0x0;
	s5 =	sld [smem:$0x3FAE]  }
0x2b: {  	s6 =	sld [smem:$0x3FAF]  }
0x2c: {  	s7 =	sld [smem:$0x3FB0]  }
0x2d: {  	s3 =	simm.s32 $0x108;
	s8 =	sld [smem:$0x3FB1]  }
0x2e: {  	s3 =	simm.s32 @!p0 $0x1082;
	s9 =	sld [smem:$0x3FB2]  }
0x2f: {  	lr =	sadd.s32 s0, s3;
	s0 =	sld [smem:$0x3FA9]  }
0x30: {  	s3 =	sld [smem:$0x3FAC]  }
0x31: {  	[smem:$0x3FB5] =	sst s10  }
0x32: {  	s10 =	sld [smem:$0x3FB3];
	_ =	sdelay $0x3  }
0x33: {  	p0 =	seq.s32 s10, $0x1;
	s10 =	sld [smem:$0x3FB5];
	_ =	sdelay $0x3  }
0x34: {  	[smem:$0x3FB5] =	sst s10  }
0x35: {  	s10 =	sld [smem:$0x3FB4];
	_ =	sdelay $0x3  }
0x36: {  	p1 =	seq.s32 s10, $0x1;
	s10 =	sld [smem:$0x3FB5];
	_ =	sdelay $0x3  }
0x37: {  	[smem:$0x3FB5] =	sst s10  }
0x38: {  	s10 =	sld [smem:$0x3FB6]  }
0x39: {  	_ = 	snop;
	(pc) =	sbr.ind lr, $3  }
0x3a: {  	_ = 	snop  }
0x3b: {  	_ = 	snop  }
0x3c: {  	p2 =	seq.s32 s10, $0x1;
	s10 =	sld [smem:$0x3FB5]  }
0x3d: {  	_ =	shalt  }
0x3e: {  	_ =	shalt  }
0x3f: {  	_ =	shalt  }
0x40: {  	_ =	shalt  }
0x41: {  	_ =	shalt  }
0x42: {  	_ =	shalt  }
0x43: {  	_ =	shalt  }
0x44: {  	_ =	shalt  }
0x45: {  	_ =	shalt  }
0x46: {  	_ =	shalt  }
0x47: {  	_ =	shalt  }
0x48: {  	_ =	shalt  }
0x49: {  	_ =	shalt  }
0x4a: {  	_ =	shalt  }
0x4b: {  	_ =	shalt  }
0x4c: {  	_ =	shalt  }
0x4d: {  	_ =	shalt  }
0x4e: {  	_ =	shalt  }
0x4f: {  	_ =	shalt  }
0x50: {  	_ =	shalt  }
0x51: {  	_ =	shalt  }
0x52: {  	_ =	shalt  }
0x53: {  	_ =	shalt  }
0x54: {  	_ =	shalt  }
0x55: {  	_ =	shalt  }
0x56: {  	_ =	shalt  }
0x57: {  	_ =	shalt  }
0x58: {  	_ =	shalt  }
0x59: {  	_ =	shalt  }
0x5a: {  	_ =	shalt  }
0x5b: {  	_ =	shalt  }
0x5c: {  	_ =	shalt  }
0x5d: {  	_ =	shalt  }
0x5e: {  	_ =	shalt  }
0x5f: {  	_ =	shalt  }
0x60: {  	_ =	shalt  }
0x61: {  	_ =	shalt  }
0x62: {  	_ =	shalt  }
0x63: {  	_ =	shalt  }
0x64: {  	_ =	shalt  }
0x65: {  	_ =	shalt  }
0x66: {  	_ =	shalt  }
0x67: {  	_ =	shalt  }
0x68: {  	_ =	shalt  }
0x69: {  	_ =	shalt  }
0x6a: {  	_ =	shalt  }
0x6b: {  	_ =	shalt  }
0x6c: {  	_ =	shalt  }
0x6d: {  	_ =	shalt  }
0x6e: {  	_ =	shalt  }
0x6f: {  	_ =	shalt  }
0x70: {  	_ =	shalt  }
0x71: {  	_ =	shalt  }
0x72: {  	_ =	shalt  }
0x73: {  	_ =	shalt  }
0x74: {  	_ =	shalt  }
0x75: {  	_ =	shalt  }
0x76: {  	_ =	shalt  }
0x77: {  	_ =	shalt  }
0x78: {  	_ =	shalt  }
0x79: {  	_ =	shalt  }
0x7a: {  	_ =	shalt  }
0x7b: {  	_ =	shalt  }
0x7c: {  	_ =	shalt  }
0x7d: {  	_ =	shalt  }
0x7e: {  	_ =	shalt  }
0x7f: {  	_ =	shalt  }
0x80: {  	_ =	shalt  }
0x81: {  	_ =	shalt  }
0x82: {  	_ =	shalt  }
0x83: {  	_ =	shalt  }
0x84: {  	_ =	shalt  }
0x85: {  	_ =	shalt  }
0x86: {  	_ =	shalt  }
0x87: {  	_ =	shalt  }
.Lfunc_end0:
.L_simem_size_0:
called_computation.1_lowered:
.L_overlay_start_0:
0x88: {  	s2 =	sld [smem:$0x3FD9]  }
0x89: {  	s3 =	sld [smem:$0x3FFE];
	_ =	sdelay $0x1  }
0x8a: {  	s1 =	srdreg.scid  }
0x8b: {  	s0 =	sand.u32 $0x1, s1  }
0x8c: {  	s17 =	sshll.u32 s0, $0xA;
	s2 =	sadd.s32 s3, s2  }
0x8d: {  	s2 =	sadd.s32 s2, s17  }
0x8e: {  	[smem:$0x3FC1] =	sst s2  }
0x8f: {  	_ = 	snop  }
0x90: {  	s2 =	sld [smem:$0x3FD0];
	(tm) =	ssettm $0x1  }
0x91: {  	s18 =	sld [smem:$0x3FFB];
	_ =	sdelay $0x3  }
0x92: {  	_ =	strace s18  }
0x93: {  	s3 =	sld [smem:$0x3FFC];
	_ =	sdelay $0x3  }
0x94: {  	_ =	strace s3  }
0x95: {  	s3 =	sld [smem:$0x3FFD];
	_ =	sdelay $0x3  }
0x96: {  	_ =	strace s3  }
0x97: {  	_ =	strace $0x8FFFFFFF  }
0x98: {  	s19 =	sld [smem:$0x3FDB];
	_ =	sdelay $0x1  }
0x99: {  	s4 =	simm.s32 $_scs_section_size  }
0x9a: {  	s5 =	simm.s32 $_size__tile_overlayer_lowered;
	s6 =	simm.s32 $_tile_overlayer_lowered  }
0x9b: {  	s22 =	simm.s32 $0x1BFF;
	s21 =	sshll.u32 s6, $0x1;
	s3 =	sadd.s32 s4, s19  }
0x9c: {  	s7 =	simm.s32 $0x0;
	s20 =	sshll.u32 s5, $0x1;
	s5 =	sadd.s32 s21, s3  }
0x9d: {  	[timem:s7], [sflag:s22] =	dma.local [hbm:s5], s20  }
0x9e: {  	_ =	swait.ge [sflag:s22], s20  }
0x9f: {  	s4 =	ssub.s32 $0x0, s20;
	[sflag:s22] =	ssyncset.done $0x0  }
0xa0: {  	[sflag:s22] =	ssyncadd.s32 s4;
	_ =	sdelay $0x1  }
0xa1: {  	s23 =	simm.s32 $0x1B8B  }
0xa2: {  	_ =	swait.ge [sflag:s23], $0x1  }
0xa3: {  	[sflag:s23] =	ssyncset.done $0x0  }
0xa4: {  	s25 =	simm.s32 $0x1B8E;
	s24 =	sld [smem:$0x3FFE];
	[sflag:s23] =	ssyncadd.s32 $0xFFFFFFFF  }
0xa5: {  	s26 =	simm.s32 $execute0_lowered;
	[smem:$0x3FD2] =	sst s25  }
0xa6: {  	s5 =	sshll.u32 s26, $0x1;
	_ =	strace $0x80000049;
	[dreg:$0x1] =	wrdreg $0xFFFFFFFF  }
0xa7: {  	s28 =	simm.s32 $_size_execute0_lowered;
	s3 =	sadd.s32 s3, s5;
	[dreg:$0x0] =	wrdreg $0x0  }
0xa8: {  	s5 =	sshll.u32 s28, $0x1;
	[dreg:$0x2] =	wrdreg s3  }
0xa9: {  	[dreg:$0x3] =	wrdreg s5  }
0xaa: {  	[dreg:$0x4] =	wrdreg $0xC0  }
0xab: {  	_ =	task [dreg:s7], $0x5FFFF  }
0xac: {  	[dreg:$0x1] =	wrdreg $0xFFFFFFFF  }
0xad: {  	[dreg:$0x0] =	wrdreg $0x60  }
0xae: {  	[dreg:$0x2] =	wrdreg s24  }
0xaf: {  	[dreg:$0x3] =	wrdreg s2  }
0xb0: {  	[dreg:$0x4] =	wrdreg $0x9  }
0xb1: {  	_ =	task.clear_ibuf [dreg:s7], $0x5FFFF;
	_ =	strace $0x90000049  }
0xb2: {  	s29 =	simm.s32 $0x9;
	_ =	strace $0x8000004B  }
0xb3: {  	_ =	swait.ge [sflag:s29], $0x1  }
0xb4: {  	[sflag:s29] =	ssyncadd.s32 $0xFFFFFFFF  }
0xb5: {  	_ =	strace $0x9000004B  }
0xb6: {  	_ =	sfence  }
0xb7: {  	s30 =	sld [smem:$0x0];
	_ =	sdelay $0x2  }
0xb8: {  	s31 =	sshll.u32 s1, $0xD;
	s1 =	sshrl.u32 s1, $0x2  }
0xb9: {  	s3 =	sand.u32 $0x4000, s31;
	s1 =	sadd.s32 s1, s30  }
0xba: {  	s0 =	sor.u32 s3, s0;
	s1 =	sshll.u32 s1, $0x11  }
0xbb: {  	s0 =	sor.u32 s1, s0  }
0xbc: {  	s0 =	sadd.s32 $0x8F2B, s0  }
0xbd: {  	[sflag:s0] =	ssyncadd.remote.s32 $0x1  }
0xbe: {  	_ =	sfence.sel $0xFFFF  }
0xbf: {  	[dreg:$0x0] =	wrdreg $0xFFFFFFFF;
	(pc) =	sbr.abs _section_cstart, $3  }
0xc0: {  	[dreg:$0x1] =	wrdreg $0xFFFFFFFF  }
0xc1: {  	_ =	task.clear_ibuf [dreg:s7], $0x2FFFF;
	_ =	strace $0x9FFFFFFF  }
0xc2: {  	(tm) =	ssettm $0x7FFFFFFF  }
0xc3: {  	_ =	shalt  }
tec
execute0_lowered:
.L_overlay_start_1:
0x0: {  	(tag) =	ssettag $0x1  }
0x1: {  	s1 =	srdreg.scid;
	s5 =	rddreg [dreg:$0x0]  }
0x2: {  	s0 =	stileid.u32;
	s2 =	rddreg [dreg:$0x1];
	s6 =	simm.s32 $0x1  }
0x3: {  	s9 =	simm.s32 $0x1;
	s10 =	simm.s32 $0x3;
	s1 =	sshll.u32 s1, $0x6  }
0x4: {  	s13 =	simm.s32 $0x0;
	s3 =	sshll.u32 s0, $0x7;
	s4 =	sand.u32 $0x40, s1  }
0x5: {  	s12 =	simm.s32 $0x0;
	s1 =	rddreg [dreg:$0x2];
	s3 =	sor.u32 s3, s4  }
0x6: {  	_ =	strace $0x8000004A;
	s4 =	sadd.s32 $0x200, s5;
	s8 =	ssub.s32 $0x1000, s3  }
.Ltmp0:
0x7: {  	s5 =	sadd.s32 $0x800, s5;
	s7 =	sand.u32 $0x7C0, s8;
	(pc) =	sbr.rel .LBB2_1-.Ltmp0, $4  }
0x8: {  	[sflag:s6] =	ssyncpa.u1 $0x0;
	s11 =	smov.u32 s3;
	p0 =	sne.s32 s7, $0x0  }
0x9: {  	s8 =	sshrl.u32 s8, $0xB;
	s7 =	simm.s32 $0x2;
	s9 =	simm.s32 @!p0 $0x0  }
0xa: {  	[sflag:s7] =	ssyncpa.u1 $0x0;
	p0 =	por $0x0, $0x0;
	s8 =	sadd.s32 s9, s8  }
0xb: {  	vm0 =	vmmov $0xffff;
	[sflag:s10] =	ssyncpa.u1 $0x0;
	s10 =	simm.s32 $0x0;
	s9 =	sadd.s32 $0x1, s8  }
.LBB2_4:
0xc: {  	v2 =	vnsel vm1, $0x0, v2  }
0xd: {  	vm1 =	vgt.s32 v0, $0x0;
	v2 =	vmin.u32 v2, $0xFFF  }
0xe: {  	v0 =	vnsel vm1, $0x0, v0  }
0xf: {  	v0 =	vmin.u32 v0, $0xFFF  }
0x10: {  	[tilespmem:s15], [sflag:$0x1] =	stream.indirect_vreg.gather [hbm4b:s4+s10], $0x1, v1, vm0, $0x4038;
	[tilespmem:$0x100] =	vst v63  }
0x11: {  	(ifvalue) =	ssetifvalue $0x7FFFFFFF  }
0x12: {  	[tilespmem:s16], [sflag:$0x1] =	stream.indirect_vreg.gather [hbm4b:s4+s10], $0x1, v2, vm0, $0x4038;
	[tilespmem:$0x100] =	vst v63  }
0x13: {  	s29 =	sadd.s32 $0x10, s16;
	(ifvalue) =	ssetifvalue $0x7FFFFFFF  }
0x14: {  	[tilespmem:s29], [sflag:$0x1] =	stream.indirect_vreg.gather [hbm4b:s4+s10], $0x1, v0, vm0, $0x4038;
	[tilespmem:$0x100] =	vst v63  }
0x15: {  	_ =	swait.ge [sflag:s6], $0x40  }
0x16: {  	s30 =	sshrl.u32 s13, $0x3;
	[sflag:s6] =	ssyncset.done $0x0  }
0x17: {  	s31 =	sand.u32 $0x7, s13;
	s15 =	sadd.s32 s2, s30;
	[sflag:s6] =	ssyncadd.s32 $0xFFFFFFC0  }
0x18: {  	[hbm4b:s15+s31] =	stream.linear.scatter [tilespmem:s14], [sflag:$0x3], $0x40, $0x38;
	[tilespmem:$0x100] =	vst v63  }
.LBB2_5:
0x19: {  	s15 =	sadd.s32 $0x800, s11  }
0x1a: {  	p2 =	sgt.s32 s15, $0xFFF  }
0x1b: {  	s15 =	smov.u32 @p2 s3;
	p2 =	sne.s32 s12, s9  }
.Ltmp1:
0x1c: {  	p1 =	slt.u32 s12, $0x2;
	(pc) =	sbr.rel @!p2 .LBB2_6-.Ltmp1, $4  }
0x1d: {  	s14 =	simm.s32 @!p1 $0x3  }
0x1e: {  	s16 =	sadd.s32 $0x1, s12;
	_ =	swait.ge @!p1 [sflag:s14], $0x40  }
0x1f: {  	s13 =	smov.u32 s11;
	p0 =	por !p0, !p0;
	[sflag:s14] =	ssyncset.done @!p1 $0x0  }
0x20: {  	s12 =	smov.u32 s16;
	s11 =	smov.u32 s15;
	[sflag:s14] =	ssyncadd.s32 @!p1 $0xFFFFFFC0  }
.LBB2_1:
0x21: {  	p1 =	sge.u32 s12, s8  }
0x22: {  	s14 =	sxor.u32 @!p1 $0xFFFFFFFF, s12  }
0x23: {  	s31 =	sadd.s32 $0xFFFFFFFF, s12;
	s15 =	sshrl.u32 @!p1 s11, $0x3;
	s14 =	sshll.u32 @!p1 s14, $0x6  }
0x24: {  	s16 =	sand.u32 @!p1 $0x7, s11;
	s15 =	sadd.s32 @!p1 s5, s15;
	s14 =	sand.u32 @!p1 $0x40, s14  }
0x25: {  	[tilespmem:s14], [sflag:$0x2] =	stream.linear.gather @!p1 [hbm4b:s15+s16], $0x40, $0x38;
	[tilespmem:$0x100] =	vst v63  }
0x26: {  	p1 =	sge.u32 s31, s8  }
.Ltmp2:
0x27: {  	_ = 	snop;
	(pc) =	sbr.rel @p1 .LBB2_5-.Ltmp2, $1  }
0x28: {  	_ =	sdelay $0x3  }
0x29: {  	s14 =	simm.s32 $0x1  }
0x2a: {  	_ =	swait.ge [sflag:s7], $0x40;
	s14 =	simm.s32 @!p0 $0x0  }
0x2b: {  	[sflag:s7] =	ssyncset.done $0x0;
	s14 =	sshll.u32 s14, $0x6  }
0x2c: {  	[sflag:s7] =	ssyncadd.s32 $0xFFFFFFC0;
	(ifvalue) =	ssetifvalue $0x7FFFFFFF;
	v0 =	vld.msk [tilespmem:s14+$0x0 ss:$0x1], $0xffff;
	_ =	sdelay $0x4  }
0x2d: {  	s15 =	sadd.s32 $0x10, s14;
	vm1 =	vgt.s32 v0, $0x0  }
0x2e: {  	v2 =	vld.msk [tilespmem:s15+$0x0 ss:$0x1], $0xffff;
	v1 =	vnsel vm1, $0x0, v0  }
0x2f: {  	v1 =	vmin.u32 v1, $0xFFF;
	_ =	sdelay $0x1  }
0x30: {  	s16 =	sshll.u32 s12, $0x6;
	s18 =	simm.s32 $0x20  }
0x31: {  	s16 =	sand.u32 $0x40, s16;
	s17 =	sadd.s32 $0x10, s15;
	s15 =	sor.u32 $0x80, s14  }
0x32: {  	s14 =	sor.u32 $0x80, s16;
	s16 =	sadd.s32 $0x10, s15;
	v0 =	vld.msk [tilespmem:s17+$0x0 ss:$0x1], $0xffff;
	vm1 =	vgt.s32 v2, $0x0;
	(ifvalue) =	ssetifvalue $0x7FFFFFFF  }
.LBB2_3:
0x33: {  	[tilespmem:s15], [sflag:$0x1] =	stream.indirect_vreg.gather [hbm4b:s4+s10], $0x1, v1, vm0, $0x4038;
	[tilespmem:$0x100] =	vst v63  }
0x34: {  	s18 =	sadd.s32 $0x10, s18  }
0x35: {  	v2 =	vnsel vm1, $0x0, v2;
	p1 =	slt.u32 s18, $0x30  }
.Ltmp3:
0x36: {  	s15 =	smov.u32 s16;
	v1 =	vmin.u32 v2, $0xFFF;
	(pc) =	sbr.rel @p1 .LBB2_3-.Ltmp3, $3  }
0x37: {  	_ =	sdelay $0x1  }
0x38: {  	s17 =	sadd.s32 $0x10, s17  }
0x39: {  	vm1 =	vgt.s32 v0, $0x0;
	s16 =	sadd.s32 $0x10, s16;
	v2 =	vmov v0;
	(ifvalue) =	ssetifvalue $0x7FFFFFFF;
	v0 =	vld.msk [tilespmem:s17+$0x0 ss:$0x1], $0xffff  }
.Ltmp4:
0x3a: {  	_ = 	snop;
	(pc) =	sbr.rel .LBB2_4-.Ltmp4, $1  }
0x3b: {  	_ =	sdelay $0x3  }
.LBB2_6:
0x3c: {  	_ =	sfence.sel $0x180000  }
0x3d: {  	s2 =	simm.s32 $0x2;
	[bflag:$0x0] =	sbarrier.arrive $0xFFFF  }
0x3e: {  	s30 =	simm.s32 $0x3;
	[sflag:s2] =	ssyncpa.u1 $0x1  }
0x3f: {  	s31 =	simm.s32 $0x1;
	[sflag:s30] =	ssyncpa.u1 $0x1  }
0x40: {  	[sflag:s31] =	ssyncpa.u1 $0x1  }
0x41: {  	p0 =	sne.s32 s0, $0x0;
	_ =	strace $0x9000004A  }
0x42: {  	s0 =	sadd.s32 @!p0 $0x100000, s1;
	[bflag:$0x2] =	sbarrier.arrive $0xFFFF  }
0x43: {  	[sflag:s0] =	ssyncadd.tile.s32 @!p0 $0x1;
	_ =	shalt  }
.Lfunc_end2:
_tile_overlayer_lowered:
.L_overlay_start_2:
0x44: {  	(tag) =	ssettag $0x2  }
0x45: {  	s0 =	rddreg [dreg:$0x0];
	s2 =	stileid.u32  }
0x46: {  	s1 =	rddreg [dreg:$0x1];
	p0 =	sne.s32 s2, $0x0  }
0x47: {  	s3 =	rddreg [dreg:$0x2];
	[bflag:$0x3] =	sbarrier.arrive $0xFFFF;
	s2 =	simm.s32 @!p0 $0x1C01  }
0x48: {  	[timem:s3], [sflag:s2] =	dma.local @!p0 [hbm:s0], s1  }
0x49: {  	s0 =	simm.s32 @!p0 $0x1  }
0x4a: {  	_ =	swait.ge @!p0 [sflag:s0], s1  }
0x4b: {  	s1 =	ssub.s32 @!p0 $0x0, s1;
	[sflag:s0] =	ssyncset.done @!p0 $0x0  }
0x4c: {  	[sflag:s0] =	ssyncadd.s32 @!p0 s1  }
0x4d: {  	[bflag:$0x3] =	sbarrier.arrive $0xFFFF  }
0x4e: {  	_ =	shalt  }

// kernel: scatter_offload_async_start
scs
__scs_entry_jumppad:
0x0: {  	(pc) =	sbr.rel $0x88, $3  }
0x1: {  	(tag) =	ssettag $0x0;
	lr =	simm.s32 $0x1  }
0x2: {  	[smem:$0x3F9A] =	sst lr;
	_ =	strace $0xD0000000  }
0x3: {  	_ = 	snop  }
0x4: {  	_ = 	snop  }
0x5: {  	_ = 	snop  }
0x6: {  	_ = 	snop  }
0x7: {  	_ = 	snop  }
__scs_overlays_trampoline_lowered:
0x8: {  	[smem:$0x3FA9] =	sst s0  }
0x9: {  	[smem:$0x3FAA] =	sst s1  }
0xa: {  	[smem:$0x3FAB] =	sst s2  }
0xb: {  	[smem:$0x3FAC] =	sst s3  }
0xc: {  	[smem:$0x3FAD] =	sst s4  }
0xd: {  	[smem:$0x3FAE] =	sst s5  }
0xe: {  	[smem:$0x3FAF] =	sst s6  }
0xf: {  	[smem:$0x3FB0] =	sst s7  }
0x10: {  	[smem:$0x3FB1] =	sst s8  }
0x11: {  	[smem:$0x3FB2] =	sst s9;
	s0 =	simm.s32 @!p0 $0x0  }
0x12: {  	s1 =	sld [smem:$0x3F98];
	s0 =	simm.s32 @p0 $0x1  }
0x13: {  	[smem:$0x3FB3] =	sst s0;
	s0 =	simm.s32 @!p1 $0x0  }
0x14: {  	s2 =	sld [smem:$0x3F97];
	s0 =	simm.s32 @p1 $0x1  }
0x15: {  	[smem:$0x3FB4] =	sst s0;
	s0 =	simm.s32 @!p2 $0x0  }
0x16: {  	s3 =	sld [smem:$0x3FDB];
	s0 =	simm.s32 @p2 $0x1  }
0x17: {  	s4 =	simm.s32 $0x1BF5;
	[smem:$0x3FB6] =	sst s0  }
0x18: {  	s0 =	sld [smem:$0x3F99];
	_ =	swait.ge [sflag:s4], $0x0  }
0x19: {  	s7 =	sld [smem:$0x3F9A]  }
0x1a: {  	s8 =	sadd.s32 $0xFFFFE003, lr  }
0x1b: {  	s9 =	sadd.s32 $0xFFFFFEF7, lr;
	s5 =	simm.s32 $0xFFFFFFFF;
	p2 =	slt.u32 s8, $0xFFFFF086  }
0x1c: {  	p1 =	slt.u32 s9, $0xF7A;
	s5 =	simm.s32 @!p2 $0x0  }
0x1d: {  	s5 =	simm.s32 @p1 $0x1;
	p0 =	seq.s32 s7, s2  }
0x1e: {  	s7 =	smul.u32 @!p0 $0xF7A, s2;
	p2 =	seq.s32 @!p0 s5, $0x0  }
0x1f: {  	s9 =	smul.u32 $0xF7A, s1;
	s8 =	simm.s32 @!p0 $0x1BF5;
	p2 =	por !p2, p0  }
0x20: {  	[sflag:s8] =	ssyncset.s32 @!p0 $0xFFFFF086;
	s6 =	sadd.s32 @!p0 s3, s7;
	s7 =	simm.s32 @!p0 $0x108  }
0x21: {  	s3 =	sadd.s32 s3, s9;
	s6 =	sadd.s32 @!p0 $0x88, s6;
	s7 =	simm.s32 @p2 $0x1082  }
0x22: {  	[simem:s7], [sflag:s8] =	dma.local @!p0 [hbm:s6], $0xF7A  }
0x23: {  	s9 =	sor.u32 $0xD0000000, s2;
	s6 =	simm.s32 $0x108;
	_ =	swait.ge @!p0 [sflag:s8], $0x0  }
0x24: {  	s3 =	sadd.s32 $0x88, s3;
	s6 =	simm.s32 @!p1 $0x1082;
	[sflag:s4] =	ssyncset.s32 $0xFFFFF086  }
0x25: {  	[simem:s6], [sflag:s4] =	dma.local [hbm:s3], $0xF7A  }
0x26: {  	[smem:$0x3F9A] =	sst s1;
	(tag) =	ssettag s2;
	_ =	strace s9  }
0x27: {  	s1 =	sld [smem:$0x3FAA]  }
0x28: {  	s2 =	sld [smem:$0x3FAB]  }
0x29: {  	s4 =	sld [smem:$0x3FAD]  }
0x2a: {  	p0 =	seq.s32 s5, $0x0;
	s5 =	sld [smem:$0x3FAE]  }
0x2b: {  	s6 =	sld [smem:$0x3FAF]  }
0x2c: {  	s7 =	sld [smem:$0x3FB0]  }
0x2d: {  	s3 =	simm.s32 $0x108;
	s8 =	sld [smem:$0x3FB1]  }
0x2e: {  	s3 =	simm.s32 @!p0 $0x1082;
	s9 =	sld [smem:$0x3FB2]  }
0x2f: {  	lr =	sadd.s32 s0, s3;
	s0 =	sld [smem:$0x3FA9]  }
0x30: {  	s3 =	sld [smem:$0x3FAC]  }
0x31: {  	[smem:$0x3FB5] =	sst s10  }
0x32: {  	s10 =	sld [smem:$0x3FB3];
	_ =	sdelay $0x3  }
0x33: {  	p0 =	seq.s32 s10, $0x1;
	s10 =	sld [smem:$0x3FB5];
	_ =	sdelay $0x3  }
0x34: {  	[smem:$0x3FB5] =	sst s10  }
0x35: {  	s10 =	sld [smem:$0x3FB4];
	_ =	sdelay $0x3  }
0x36: {  	p1 =	seq.s32 s10, $0x1;
	s10 =	sld [smem:$0x3FB5];
	_ =	sdelay $0x3  }
0x37: {  	[smem:$0x3FB5] =	sst s10  }
0x38: {  	s10 =	sld [smem:$0x3FB6]  }
0x39: {  	_ = 	snop;
	(pc) =	sbr.ind lr, $3  }
0x3a: {  	_ = 	snop  }
0x3b: {  	_ = 	snop  }
0x3c: {  	p2 =	seq.s32 s10, $0x1;
	s10 =	sld [smem:$0x3FB5]  }
0x3d: {  	_ =	shalt  }
0x3e: {  	_ =	shalt  }
0x3f: {  	_ =	shalt  }
0x40: {  	_ =	shalt  }
0x41: {  	_ =	shalt  }
0x42: {  	_ =	shalt  }
0x43: {  	_ =	shalt  }
0x44: {  	_ =	shalt  }
0x45: {  	_ =	shalt  }
0x46: {  	_ =	shalt  }
0x47: {  	_ =	shalt  }
0x48: {  	_ =	shalt  }
0x49: {  	_ =	shalt  }
0x4a: {  	_ =	shalt  }
0x4b: {  	_ =	shalt  }
0x4c: {  	_ =	shalt  }
0x4d: {  	_ =	shalt  }
0x4e: {  	_ =	shalt  }
0x4f: {  	_ =	shalt  }
0x50: {  	_ =	shalt  }
0x51: {  	_ =	shalt  }
0x52: {  	_ =	shalt  }
0x53: {  	_ =	shalt  }
0x54: {  	_ =	shalt  }
0x55: {  	_ =	shalt  }
0x56: {  	_ =	shalt  }
0x57: {  	_ =	shalt  }
0x58: {  	_ =	shalt  }
0x59: {  	_ =	shalt  }
0x5a: {  	_ =	shalt  }
0x5b: {  	_ =	shalt  }
0x5c: {  	_ =	shalt  }
0x5d: {  	_ =	shalt  }
0x5e: {  	_ =	shalt  }
0x5f: {  	_ =	shalt  }
0x60: {  	_ =	shalt  }
0x61: {  	_ =	shalt  }
0x62: {  	_ =	shalt  }
0x63: {  	_ =	shalt  }
0x64: {  	_ =	shalt  }
0x65: {  	_ =	shalt  }
0x66: {  	_ =	shalt  }
0x67: {  	_ =	shalt  }
0x68: {  	_ =	shalt  }
0x69: {  	_ =	shalt  }
0x6a: {  	_ =	shalt  }
0x6b: {  	_ =	shalt  }
0x6c: {  	_ =	shalt  }
0x6d: {  	_ =	shalt  }
0x6e: {  	_ =	shalt  }
0x6f: {  	_ =	shalt  }
0x70: {  	_ =	shalt  }
0x71: {  	_ =	shalt  }
0x72: {  	_ =	shalt  }
0x73: {  	_ =	shalt  }
0x74: {  	_ =	shalt  }
0x75: {  	_ =	shalt  }
0x76: {  	_ =	shalt  }
0x77: {  	_ =	shalt  }
0x78: {  	_ =	shalt  }
0x79: {  	_ =	shalt  }
0x7a: {  	_ =	shalt  }
0x7b: {  	_ =	shalt  }
0x7c: {  	_ =	shalt  }
0x7d: {  	_ =	shalt  }
0x7e: {  	_ =	shalt  }
0x7f: {  	_ =	shalt  }
0x80: {  	_ =	shalt  }
0x81: {  	_ =	shalt  }
0x82: {  	_ =	shalt  }
0x83: {  	_ =	shalt  }
0x84: {  	_ =	shalt  }
0x85: {  	_ =	shalt  }
0x86: {  	_ =	shalt  }
0x87: {  	_ =	shalt  }
.Lfunc_end0:
.L_simem_size_0:
called_computation_lowered:
.L_overlay_start_0:
0x88: {  	s0 =	sld [smem:$0x3FD9]  }
0x89: {  	s1 =	sld [smem:$0x3FFE];
	_ =	sdelay $0x3  }
0x8a: {  	s0 =	sadd.s32 s1, s0  }
0x8b: {  	[smem:$0x3FC1] =	sst s0  }
0x8c: {  	_ = 	snop  }
0x8d: {  	s0 =	sld [smem:$0x3FD0];
	(tm) =	ssettm $0x1  }
0x8e: {  	s16 =	sld [smem:$0x3FFB];
	_ =	sdelay $0x3  }
0x8f: {  	_ =	strace s16  }
0x90: {  	s1 =	sld [smem:$0x3FFC];
	_ =	sdelay $0x3  }
0x91: {  	_ =	strace s1  }
0x92: {  	s1 =	sld [smem:$0x3FFD];
	_ =	sdelay $0x3  }
0x93: {  	_ =	strace s1  }
0x94: {  	_ =	strace $0x8FFFFFFF  }
0x95: {  	s17 =	sld [smem:$0x3FDB];
	_ =	sdelay $0x1  }
0x96: {  	s2 =	simm.s32 $_scs_section_size  }
0x97: {  	s3 =	simm.s32 $_size__tile_overlayer_lowered;
	s4 =	simm.s32 $_tile_overlayer_lowered  }
0x98: {  	s20 =	simm.s32 $0x1BFF;
	s19 =	sshll.u32 s4, $0x1;
	s1 =	sadd.s32 s2, s17  }
0x99: {  	s5 =	simm.s32 $0x0;
	s18 =	sshll.u32 s3, $0x1;
	s3 =	sadd.s32 s19, s1  }
0x9a: {  	[timem:s5], [sflag:s20] =	dma.local [hbm:s3], s18  }
0x9b: {  	_ =	swait.ge [sflag:s20], s18  }
0x9c: {  	s2 =	ssub.s32 $0x0, s18;
	[sflag:s20] =	ssyncset.done $0x0  }
0x9d: {  	[sflag:s20] =	ssyncadd.s32 s2;
	_ =	sdelay $0x1  }
0x9e: {  	s21 =	simm.s32 $0x1B8B  }
0x9f: {  	_ =	swait.ge [sflag:s21], $0x1  }
0xa0: {  	[sflag:s21] =	ssyncset.done $0x0  }
0xa1: {  	s23 =	simm.s32 $0x1B8E;
	s22 =	sld [smem:$0x3FFE];
	[sflag:s21] =	ssyncadd.s32 $0xFFFFFFFF  }
0xa2: {  	s24 =	simm.s32 $execute0_lowered;
	[smem:$0x3FD2] =	sst s23  }
0xa3: {  	s3 =	sshll.u32 s24, $0x1;
	_ =	strace $0x80000046;
	[dreg:$0x1] =	wrdreg $0xFFFFFFFF  }
0xa4: {  	s25 =	simm.s32 $_size_execute0_lowered;
	s1 =	sadd.s32 s1, s3;
	[dreg:$0x0] =	wrdreg $0x0  }
0xa5: {  	s3 =	sshll.u32 s25, $0x1;
	[dreg:$0x2] =	wrdreg s1  }
0xa6: {  	[dreg:$0x3] =	wrdreg s3  }
0xa7: {  	[dreg:$0x4] =	wrdreg $0xC0  }
0xa8: {  	_ =	task [dreg:s5], $0x5FFFF  }
0xa9: {  	[dreg:$0x1] =	wrdreg $0xFFFFFFFF  }
0xaa: {  	[dreg:$0x0] =	wrdreg $0x60  }
0xab: {  	[dreg:$0x2] =	wrdreg s22  }
0xac: {  	[dreg:$0x3] =	wrdreg s0  }
0xad: {  	[dreg:$0x4] =	wrdreg $0x9  }
0xae: {  	_ =	task.clear_ibuf [dreg:s5], $0x5FFFF;
	_ =	strace $0x90000046  }
0xaf: {  	s26 =	simm.s32 $0x9;
	_ =	strace $0x80000048  }
0xb0: {  	_ =	swait.ge [sflag:s26], $0x1  }
0xb1: {  	[sflag:s26] =	ssyncadd.s32 $0xFFFFFFFF  }
0xb2: {  	_ =	strace $0x90000048  }
0xb3: {  	_ =	sfence  }
0xb4: {  	s28 =	sld [smem:$0x0];
	_ =	sdelay $0x1  }
0xb5: {  	s29 =	srdreg.scid  }
0xb6: {  	s30 =	sshll.u32 s29, $0xD;
	s31 =	sshrl.u32 s29, $0x2  }
0xb7: {  	s2 =	sand.u32 $0x4000, s30;
	s1 =	sand.u32 $0x1, s29;
	s0 =	sadd.s32 s31, s28  }
0xb8: {  	s1 =	sor.u32 s2, s1;
	s0 =	sshll.u32 s0, $0x11  }
0xb9: {  	s0 =	sor.u32 s0, s1  }
0xba: {  	s0 =	sadd.s32 $0x8F2B, s0  }
0xbb: {  	[sflag:s0] =	ssyncadd.remote.s32 $0x1  }
0xbc: {  	_ =	sfence.sel $0xFFFF  }
0xbd: {  	[dreg:$0x0] =	wrdreg $0xFFFFFFFF;
	(pc) =	sbr.abs _section_cstart, $3  }
0xbe: {  	[dreg:$0x1] =	wrdreg $0xFFFFFFFF  }
0xbf: {  	_ =	task.clear_ibuf [dreg:s5], $0x2FFFF;
	_ =	strace $0x9FFFFFFF  }
0xc0: {  	(tm) =	ssettm $0x7FFFFFFF  }
0xc1: {  	_ =	shalt  }
tec
execute0_lowered:
.L_overlay_start_1:
0x0: {  	(tag) =	ssettag $0x1  }
0x1: {  	s5 =	rddreg [dreg:$0x0]  }
0x2: {  	s6 =	rddreg [dreg:$0x1]  }
0x3: {  	s0 =	rddreg [dreg:$0x2];
	_ =	strace $0x80000047;
	s7 =	stileid.u32  }
0x4: {  	s3 =	simm.s32 $0x3E;
	s1 =	sadd.s32 $0x400, s5;
	p0 =	sne.s32 s7, $0x0  }
0x5: {  	[sflag:s3] =	ssyncpa.u1 $0x0;
	s4 =	simm.s32 @!p0 $0x1C3E;
	s2 =	simm.s32 @!p0 $0x0  }
0x6: {  	[spmem:s2], [sflag:s4] =	dma.local @!p0 [hbm:s1], $0x10  }
0x7: {  	s4 =	simm.s32 @!p0 $0x3E  }
0x8: {  	_ =	swait.ge @!p0 [sflag:s4], $0x10  }
0x9: {  	[sflag:s4] =	ssyncset.done @!p0 $0x0  }
0xa: {  	[sflag:s4] =	ssyncadd.s32 @!p0 $0xFFFFFFF0  }
0xb: {  	s9 =	simm.s32 $0x108;
	s8 =	sadd.s32 $0x600, s5;
	[bflag:$0x0] =	sbarrier.arrive $0xFFFF  }
0xc: {  	s7 =	sshll.u32 s7, $0x5;
	[sflag:s3] =	ssyncpa.u1 $0x1;
	s3 =	simm.s32 $0x1  }
0xd: {  	s5 =	simm.s32 $0x0;
	s4 =	simm.s32 $0x2;
	[sflag:s3] =	ssyncpa.u1 $0x0  }
0xe: {  	s6 =	sadd.s32 s6, s7;
	(ifvalue) =	ssetifvalue $0x80;
	[sflag:s4] =	ssyncpa.u1 $0x0  }
0xf: {  	[tilespmem:s9], [sflag:$0x2] =	stream.linear.gather [hbm4b:s6+s5], $0x100, $0x38;
	[tilespmem:$0x408] =	vst v63  }
0x10: {  	s23 =	simm.s32 $0x308;
	s22 =	sadd.s32 s8, s7  }
0x11: {  	[tilespmem:s23], [sflag:$0x2] =	stream.linear.gather [hbm4b:s22+s5], $0x100, $0x38;
	[tilespmem:$0x408] =	vst v63  }
0x12: {  	_ =	swait.ge [sflag:s4], $0x200  }
0x13: {  	[sflag:s4] =	ssyncset.done $0x0  }
0x14: {  	[sflag:s4] =	ssyncadd.s32 $0xFFFFFE00  }
0x15: {  	v0 =	vld.msk [tilespmem:s9+$0x0 ss:$0x1], $0xffff;
	_ =	sdelay $0x4  }
0x16: {  	v0 =	vmin.u32 v0, $0x80;
	_ =	sdelay $0x3  }
0x17: {  	vm0 =	vmmov $0xffff;
	s24 =	simm.s32 $0x118  }
0x18: {  	[spmem:s5] =	stream.indirect_vreg.scatter.add.s32 [tilespmem:s23], [sflag:$0x1], $0x1, v0, vm0, $0x4038;
	[tilespmem:$0x408] =	vst v63  }
0x19: {  	v0 =	vld.msk [tilespmem:s24+$0x0 ss:$0x1], $0xffff;
	_ =	sdelay $0x4  }
0x1a: {  	v0 =	vmin.u32 v0, $0x80;
	_ =	sdelay $0x3  }
0x1b: {  	s25 =	simm.s32 $0x318;
	s26 =	simm.s32 $0x128  }
0x1c: {  	[spmem:s5] =	stream.indirect_vreg.scatter.add.s32 [tilespmem:s25], [sflag:$0x1], $0x1, v0, vm0, $0x4038;
	[tilespmem:$0x408] =	vst v63  }
0x1d: {  	v0 =	vld.msk [tilespmem:s26+$0x0 ss:$0x1], $0xffff;
	_ =	sdelay $0x4  }
0x1e: {  	v0 =	vmin.u32 v0, $0x80;
	_ =	sdelay $0x3  }
0x1f: {  	s28 =	simm.s32 $0x328;
	s29 =	simm.s32 $0x138  }
0x20: {  	[spmem:s5] =	stream.indirect_vreg.scatter.add.s32 [tilespmem:s28], [sflag:$0x1], $0x1, v0, vm0, $0x4038;
	[tilespmem:$0x408] =	vst v63  }
0x21: {  	v0 =	vld.msk [tilespmem:s29+$0x0 ss:$0x1], $0xffff;
	_ =	sdelay $0x4  }
0x22: {  	v0 =	vmin.u32 v0, $0x80;
	_ =	sdelay $0x3  }
0x23: {  	s30 =	simm.s32 $0x338;
	s31 =	simm.s32 $0x148  }
0x24: {  	[spmem:s5] =	stream.indirect_vreg.scatter.add.s32 [tilespmem:s30], [sflag:$0x1], $0x1, v0, vm0, $0x4038;
	[tilespmem:$0x408] =	vst v63  }
0x25: {  	v0 =	vld.msk [tilespmem:s31+$0x0 ss:$0x1], $0xffff;
	_ =	sdelay $0x4  }
0x26: {  	v0 =	vmin.u32 v0, $0x80;
	_ =	sdelay $0x3  }
0x27: {  	s7 =	simm.s32 $0x348;
	s8 =	simm.s32 $0x158  }
0x28: {  	[spmem:s5] =	stream.indirect_vreg.scatter.add.s32 [tilespmem:s7], [sflag:$0x1], $0x1, v0, vm0, $0x4038;
	[tilespmem:$0x408] =	vst v63  }
0x29: {  	v0 =	vld.msk [tilespmem:s8+$0x0 ss:$0x1], $0xffff;
	_ =	sdelay $0x4  }
0x2a: {  	v0 =	vmin.u32 v0, $0x80;
	_ =	sdelay $0x3  }
0x2b: {  	s10 =	simm.s32 $0x168;
	s9 =	simm.s32 $0x358  }
0x2c: {  	[spmem:s5] =	stream.indirect_vreg.scatter.add.s32 [tilespmem:s9], [sflag:$0x1], $0x1, v0, vm0, $0x4038;
	[tilespmem:$0x408] =	vst v63  }
0x2d: {  	v0 =	vld.msk [tilespmem:s10+$0x0 ss:$0x1], $0xffff;
	_ =	sdelay $0x4  }
0x2e: {  	v0 =	vmin.u32 v0, $0x80;
	_ =	sdelay $0x3  }
0x2f: {  	s11 =	simm.s32 $0x368;
	s12 =	simm.s32 $0x178  }
0x30: {  	[spmem:s5] =	stream.indirect_vreg.scatter.add.s32 [tilespmem:s11], [sflag:$0x1], $0x1, v0, vm0, $0x4038;
	[tilespmem:$0x408] =	vst v63  }
0x31: {  	v0 =	vld.msk [tilespmem:s12+$0x0 ss:$0x1], $0xffff;
	_ =	sdelay $0x4  }
0x32: {  	v0 =	vmin.u32 v0, $0x80;
	_ =	sdelay $0x3  }
0x33: {  	s13 =	simm.s32 $0x378;
	s14 =	simm.s32 $0x188  }
0x34: {  	[spmem:s5] =	stream.indirect_vreg.scatter.add.s32 [tilespmem:s13], [sflag:$0x1], $0x1, v0, vm0, $0x4038;
	[tilespmem:$0x408] =	vst v63  }
0x35: {  	v0 =	vld.msk [tilespmem:s14+$0x0 ss:$0x1], $0xffff;
	_ =	sdelay $0x4  }
0x36: {  	v0 =	vmin.u32 v0, $0x80;
	_ =	sdelay $0x3  }
0x37: {  	s15 =	simm.s32 $0x388;
	s16 =	simm.s32 $0x198  }
0x38: {  	[spmem:s5] =	stream.indirect_vreg.scatter.add.s32 [tilespmem:s15], [sflag:$0x1], $0x1, v0, vm0, $0x4038;
	[tilespmem:$0x408] =	vst v63  }
0x39: {  	v0 =	vld.msk [tilespmem:s16+$0x0 ss:$0x1], $0xffff;
	_ =	sdelay $0x4  }
0x3a: {  	v0 =	vmin.u32 v0, $0x80;
	_ =	sdelay $0x3  }
0x3b: {  	s17 =	simm.s32 $0x398;
	s18 =	simm.s32 $0x1A8  }
0x3c: {  	[spmem:s5] =	stream.indirect_vreg.scatter.add.s32 [tilespmem:s17], [sflag:$0x1], $0x1, v0, vm0, $0x4038;
	[tilespmem:$0x408] =	vst v63  }
0x3d: {  	v0 =	vld.msk [tilespmem:s18+$0x0 ss:$0x1], $0xffff;
	_ =	sdelay $0x4  }
0x3e: {  	v0 =	vmin.u32 v0, $0x80;
	_ =	sdelay $0x3  }
0x3f: {  	s19 =	simm.s32 $0x3A8;
	s20 =	simm.s32 $0x1B8  }
0x40: {  	[spmem:s5] =	stream.indirect_vreg.scatter.add.s32 [tilespmem:s19], [sflag:$0x1], $0x1, v0, vm0, $0x4038;
	[tilespmem:$0x408] =	vst v63  }
0x41: {  	v0 =	vld.msk [tilespmem:s20+$0x0 ss:$0x1], $0xffff;
	_ =	sdelay $0x4  }
0x42: {  	v0 =	vmin.u32 v0, $0x80;
	_ =	sdelay $0x3  }
0x43: {  	s21 =	simm.s32 $0x3B8;
	s22 =	simm.s32 $0x1C8  }
0x44: {  	[spmem:s5] =	stream.indirect_vreg.scatter.add.s32 [tilespmem:s21], [sflag:$0x1], $0x1, v0, vm0, $0x4038;
	[tilespmem:$0x408] =	vst v63  }
0x45: {  	v0 =	vld.msk [tilespmem:s22+$0x0 ss:$0x1], $0xffff;
	_ =	sdelay $0x4  }
0x46: {  	v0 =	vmin.u32 v0, $0x80;
	_ =	sdelay $0x3  }
0x47: {  	s23 =	simm.s32 $0x3C8;
	s24 =	simm.s32 $0x1D8  }
0x48: {  	[spmem:s5] =	stream.indirect_vreg.scatter.add.s32 [tilespmem:s23], [sflag:$0x1], $0x1, v0, vm0, $0x4038;
	[tilespmem:$0x408] =	vst v63  }
0x49: {  	v0 =	vld.msk [tilespmem:s24+$0x0 ss:$0x1], $0xffff;
	_ =	sdelay $0x4  }
0x4a: {  	v0 =	vmin.u32 v0, $0x80;
	_ =	sdelay $0x3  }
0x4b: {  	s25 =	simm.s32 $0x3D8;
	s26 =	simm.s32 $0x1E8  }
0x4c: {  	[spmem:s5] =	stream.indirect_vreg.scatter.add.s32 [tilespmem:s25], [sflag:$0x1], $0x1, v0, vm0, $0x4038;
	[tilespmem:$0x408] =	vst v63  }
0x4d: {  	v0 =	vld.msk [tilespmem:s26+$0x0 ss:$0x1], $0xffff;
	_ =	sdelay $0x4  }
0x4e: {  	v0 =	vmin.u32 v0, $0x80;
	_ =	sdelay $0x3  }
0x4f: {  	s28 =	simm.s32 $0x3E8;
	s29 =	simm.s32 $0x1F8  }
0x50: {  	[spmem:s5] =	stream.indirect_vreg.scatter.add.s32 [tilespmem:s28], [sflag:$0x1], $0x1, v0, vm0, $0x4038;
	[tilespmem:$0x408] =	vst v63  }
0x51: {  	v0 =	vld.msk [tilespmem:s29+$0x0 ss:$0x1], $0xffff;
	_ =	sdelay $0x4  }
0x52: {  	v0 =	vmin.u32 v0, $0x80;
	_ =	sdelay $0x3  }
0x53: {  	s30 =	simm.s32 $0x3F8  }
0x54: {  	[spmem:s5] =	stream.indirect_vreg.scatter.add.s32 [tilespmem:s30], [sflag:$0x1], $0x1, v0, vm0, $0x4038;
	[tilespmem:$0x408] =	vst v63  }
0x55: {  	_ =	swait.ge [sflag:s3], $0x100  }
0x56: {  	[sflag:s3] =	ssyncset.done $0x0  }
0x57: {  	[sflag:s3] =	ssyncadd.s32 $0xFFFFFF00  }
0x58: {  	_ =	sfence.sel $0x180000  }
0x59: {  	[bflag:$0x0] =	sbarrier.arrive $0xFFFF  }
0x5a: {  	[sflag:s4] =	ssyncpa.u1 $0x1  }
0x5b: {  	[sflag:s3] =	ssyncpa.u1 $0x1  }
0x5c: {  	_ =	sfence.stream.spmem  }
0x5d: {  	s31 =	simm.s32 $0x3D;
	[bflag:$0x0] =	sbarrier.arrive $0xFFFF  }
0x5e: {  	s3 =	simm.s32 @p0 $0x3D;
	[sflag:s31] =	ssyncpa.u1 $0x0  }
0x5f: {  	[sflag:s3] =	ssyncpa.u1 @p0 $0x1  }
0x60: {  	[bflag:$0x0] =	sbarrier.arrive @p0 $0xFFFF  }
0x61: {  	_ =	strace @p0 $0x90000047  }
0x62: {  	s3 =	simm.s32 @!p0 $0x1C3D;
	[bflag:$0x2] =	sbarrier.arrive @p0 $0xFFFF  }
0x63: {  	[hbm:s1], [sflag:s3] =	dma.local @!p0 [spmem:s2], $0x10  }
0x64: {  	s1 =	simm.s32 @!p0 $0x3D  }
0x65: {  	_ =	swait.ge @!p0 [sflag:s1], $0x10  }
0x66: {  	[sflag:s1] =	ssyncset.done @!p0 $0x0  }
0x67: {  	[sflag:s1] =	ssyncadd.s32 @!p0 $0xFFFFFFF0  }
0x68: {  	[sflag:s1] =	ssyncpa.u1 @!p0 $0x1  }
0x69: {  	[bflag:$0x0] =	sbarrier.arrive @!p0 $0xFFFF  }
0x6a: {  	_ =	strace @!p0 $0x90000047  }
0x6b: {  	s0 =	sadd.s32 @!p0 $0x100000, s0;
	[bflag:$0x2] =	sbarrier.arrive @!p0 $0xFFFF  }
0x6c: {  	[sflag:s0] =	ssyncadd.tile.s32 @!p0 $0x1;
	_ =	shalt  }
.Lfunc_end2:
_tile_overlayer_lowered:
.L_overlay_start_2:
0x6d: {  	(tag) =	ssettag $0x2  }
0x6e: {  	s0 =	rddreg [dreg:$0x0];
	s2 =	stileid.u32  }
0x6f: {  	s1 =	rddreg [dreg:$0x1];
	p0 =	sne.s32 s2, $0x0  }
0x70: {  	s3 =	rddreg [dreg:$0x2];
	[bflag:$0x3] =	sbarrier.arrive $0xFFFF;
	s2 =	simm.s32 @!p0 $0x1C01  }
0x71: {  	[timem:s3], [sflag:s2] =	dma.local @!p0 [hbm:s0], s1  }
0x72: {  	s0 =	simm.s32 @!p0 $0x1  }
0x73: {  	_ =	swait.ge @!p0 [sflag:s0], s1  }
0x74: {  	s1 =	ssub.s32 @!p0 $0x0, s1;
	[sflag:s0] =	ssyncset.done @!p0 $0x0  }
0x75: {  	[sflag:s0] =	ssyncadd.s32 @!p0 s1  }
0x76: {  	[bflag:$0x3] =	sbarrier.arrive $0xFFFF  }
0x77: {  	_ =	shalt  }

</sc_bundles>
